<compile_context>
chip_gen: v7x
topology: tpu7x:2x2x1
jax: 0.10.2.dev20260603
libtpu: 0.0.44.dev20260713+nightly
codegen_flags: <defaults>
</compile_context>

<pallas_src>
import functools

import jax
import jax.numpy as jnp
from jax import lax
from jax.experimental import pallas as pl
from jax.experimental.pallas import tpu as pltpu
from jax.experimental.pallas import tpu_sc as plsc

_L = 16
_NC = 2
_NS = 16
_NW = _NC * _NS
_NCHUNK = 4


def _cie_sc_kernel(S, D, heads, rows_per_w,
                   x_hbm, p_hbm, out_hbm,
                   p_v, x_v, out_v, psem, *xsems):
    cid = lax.axis_index("c")
    sid = lax.axis_index("s")
    wid = sid * _NC + cid
    base = wid * rows_per_w
    rc = rows_per_w // _NCHUNK

    p_cp = pltpu.async_copy(p_hbm, p_v, psem)
    x_cps = [
        pltpu.async_copy(x_hbm.at[pl.ds(base + c * rc, rc)],
                         x_v.at[pl.ds(c * rc, rc)], xsems[c])
        for c in range(_NCHUNK)
    ]

    p_cp.wait()
    gacc = jnp.zeros((_L,), jnp.float32)
    cacc = jnp.zeros((_L,), jnp.float32)
    for h in range(heads):
        fmsh = p_v[h, :]
        fm0h = p_v[heads + h, :]
        aggh = p_v[2 * heads + h, :]
        gacc = gacc + (fmsh - fm0h) * aggh
        cacc = cacc + fm0h * aggh
    c_splat = jnp.broadcast_to(cacc[0], (_L,))
    for k in range(1, _L):
        c_splat = c_splat + jnp.broadcast_to(cacc[k], (_L,))
    ws = [jnp.broadcast_to(gacc[s], (_L,)) for s in range(S)]

    out_cps = []
    for c in range(_NCHUNK):
        x_cps[c].wait()

        @pl.loop(c * rc, (c + 1) * rc)
        def _row(r):
            for half in range(D // _L):
                off = half * _L
                v = x_v[r, pl.ds(off, _L)]
                acc = v * ws[0]
                mx = v
                for s in range(1, S):
                    v = x_v[r, pl.ds(s * D + off, _L)]
                    acc = acc + v * ws[s]
                    mx = jnp.maximum(mx, v)
                out_v[r, pl.ds(off, _L)] = acc + c_splat * mx

        out_cps.append(pltpu.async_copy(
            out_v.at[pl.ds(c * rc, rc)],
            out_hbm.at[pl.ds(base + c * rc, rc)], psem))

    for cp in out_cps:
        cp.wait()


def kernel(x, FM, Agg, source_index):
    N, S, D = x.shape
    heads = FM.shape[1]
    del source_index
    rows_per_w = N // _NW

    x2 = x.reshape(N, S * D)
    fm32 = FM.astype(jnp.float32)
    packed = jnp.concatenate([
        jnp.concatenate(
            [fm32[1:].T, jnp.zeros((heads, _L - (FM.shape[0] - 1)),
                                   jnp.float32)], axis=1),
        jnp.broadcast_to(fm32[0][:, None], (heads, _L)),
        Agg[0].T.astype(jnp.float32),
    ], axis=0)

    mesh = plsc.VectorSubcoreMesh(core_axis_name="c", subcore_axis_name="s")
    run = pl.kernel(
        functools.partial(_cie_sc_kernel, S, D, heads, rows_per_w),
        out_type=jax.ShapeDtypeStruct((N, D), jnp.float32),
        mesh=mesh,
        scratch_types=[
            pltpu.VMEM((3 * heads, _L), jnp.float32),
            pltpu.VMEM((rows_per_w, S * D), jnp.float32),
            pltpu.VMEM((rows_per_w, D), jnp.float32),
            pltpu.SemaphoreType.DMA,
            *([pltpu.SemaphoreType.DMA] * _NCHUNK),
        ],
    )
    out = run(x2, packed)
    return out.reshape(N, D, 1)

# --- scband reference (transcript-rebuilt; emitter-appended) ---
"""Pipeline reference for scband-cie-18236431138961 (READ-ONLY COPY).

The authoritative reference and input builder live on the scoring server;
editing this copy changes nothing except your own understanding.
"""

import jax, jax.numpy as jnp
import numpy as np

SOURCE_NUM = 16
HEADS = 4

def _get_source_index(N):
    # vectorized version of the module's get_source_index: row for bcode=1..2^N-1,
    # entry j is (j+1) if bit j of bcode is set (LSB-first), else 0
    codes = np.arange(1, 2 ** N, dtype=np.int64)
    bits = (codes[:, None] >> np.arange(N, dtype=np.int64)) & 1
    vals = np.where(bits == 1, np.arange(1, N + 1, dtype=np.int64), 0)
    return vals.astype(np.int64)

def setup_inputs(seed: int = 0) -> dict:
    key = jax.random.key(seed)
    k1, k2, k3 = jax.random.split(key, 3)
    x = jax.random.normal(k1, (1024, 15, 32), dtype=jnp.float32)
    # FM: row 0 is the zero (null-set) fuzzy measure, rest random (as in torch.cat init)
    FM = jax.random.normal(k2, (SOURCE_NUM, HEADS), dtype=jnp.float32)
    FM = FM.at[0].set(0.0)
    Agg = jax.random.normal(k3, (1, SOURCE_NUM, HEADS), dtype=jnp.float32)
    source_index = jnp.asarray(_get_source_index(SOURCE_NUM))
    return {"x": x, "FM": FM, "Agg": Agg, "source_index": source_index}

def reference(x, FM, Agg, source_index):
    N, S, D = x.shape
    heads = FM.shape[1]
    # descending sort along the source/field dim
    sort_idx = jnp.argsort(-x, axis=1)
    x_sort = jnp.take_along_axis(x, sort_idx, axis=1)
    x_sort = jnp.concatenate([x_sort, jnp.zeros((N, 1, D), dtype=x.dtype)], axis=1)
    diffs = x_sort[:, :-1, :] - x_sort[:, 1:, :]
    # subset code via cumulative sum of powers of two of sorted indices
    cum = jnp.cumsum(jnp.power(jnp.int64(2), sort_idx.astype(jnp.int64)), axis=1) - 1
    sidx = source_index[cum.reshape(-1)]              # gather 1: [N*S*D, SOURCE_NUM]
    FM_ = FM[sidx]                                    # gather 2: [N*S*D, SOURCE_NUM, heads]
    FM_ = (FM_ * Agg).sum(axis=1).reshape(N, S, D, heads)
    out = (diffs[..., None] * FM_).sum(axis=1)        # [N, D, heads]
    out = jnp.sum(out, axis=-1, keepdims=True)        # concat=False branch
    return out

if __name__ == "__main__":
    import jax
    _d = setup_inputs()
    print(jax.jit(kernel)(*tuple(_d.values())))

</pallas_src>

<mosaic_0001>
#map = affine_map<(d0, d1) -> (0, 0)>
module attributes {stable_mosaic.version = 14 : i64} {
  func.func @_cie_sc_kernel(%arg0: i32, %arg1: i32, %arg2: memref<1024x480xf32, #tpu.memory_space<hbm>>, %arg3: memref<12x16xf32, #tpu.memory_space<hbm>>, %arg4: memref<1024x32xf32, #tpu.memory_space<hbm>>, %arg5: memref<12x16xf32, #tpu.memory_space<vmem>>, %arg6: memref<32x480xf32, #tpu.memory_space<vmem>>, %arg7: memref<32x32xf32, #tpu.memory_space<vmem>>, %arg8: memref<!tpu.dma_semaphore, #tpu.memory_space<semaphore_mem>>, %arg9: memref<!tpu.dma_semaphore, #tpu.memory_space<semaphore_mem>>, %arg10: memref<!tpu.dma_semaphore, #tpu.memory_space<semaphore_mem>>, %arg11: memref<!tpu.dma_semaphore, #tpu.memory_space<semaphore_mem>>, %arg12: memref<!tpu.dma_semaphore, #tpu.memory_space<semaphore_mem>>) attributes {dimension_semantics = [#tpu.dimension_semantics<core_parallel>, #tpu.dimension_semantics<subcore_parallel>], iteration_bounds = array<i64: 2, 16>, scalar_prefetch = 0 : i64, scratch_operands = 8 : i64, tpu.core_type = #tpu.core_type<sc_vector_subcore>, window_params = [{transform_indices = #map}, {transform_indices = #map}, {transform_indices = #map}]} {
    %mul3A = arith.constant 2 : i32
    %mul3A_0 = arith.muli %arg1, %mul3A : i32
    %add3A = arith.addi %mul3A_0, %arg0 : i32
    %mul3A_1 = arith.constant 32 : i32
    %mul3A_2 = arith.muli %add3A, %mul3A_1 : i32
    tpu.enqueue_dma source(%arg3 : memref<12x16xf32, #tpu.memory_space<hbm>>) target(%arg5 : memref<12x16xf32, #tpu.memory_space<vmem>>) target_semaphore(%arg8 : memref<!tpu.dma_semaphore, #tpu.memory_space<semaphore_mem>>)
    %add3A_3 = arith.constant 0 : i32
    %add3A_4 = arith.addi %mul3A_2, %add3A_3 : i32
    %dma_start3A = arith.constant 0 : i32
    %dma_start3A_5 = arith.constant 0 : i32
    %dma_start3A_6 = tpu.memref_slice %arg6[%dma_start3A, %dma_start3A_5] : memref<32x480xf32, #tpu.memory_space<vmem>> -> memref<8x480xf32, #tpu.memory_space<vmem>>
    %dma_start3A_7 = arith.constant 0 : i32
    %dma_start3A_8 = tpu.memref_slice %arg2[%add3A_4, %dma_start3A_7] : memref<1024x480xf32, #tpu.memory_space<hbm>> -> memref<8x480xf32, #tpu.memory_space<hbm>>
    %dma_start3A_9 = arith.constant 0 : i32
    %dma_start3A_10 = arith.constant 0 : i32
    %dma_start3A_11 = tpu.memref_slice %arg6[%dma_start3A_9, %dma_start3A_10] : memref<32x480xf32, #tpu.memory_space<vmem>> -> memref<8x480xf32, #tpu.memory_space<vmem>>
    %dma_start3A_12 = arith.constant 0 : i32
    %dma_start3A_13 = tpu.memref_slice %arg2[%add3A_4, %dma_start3A_12] : memref<1024x480xf32, #tpu.memory_space<hbm>> -> memref<8x480xf32, #tpu.memory_space<hbm>>
    tpu.enqueue_dma source(%dma_start3A_13 : memref<8x480xf32, #tpu.memory_space<hbm>>) target(%dma_start3A_11 : memref<8x480xf32, #tpu.memory_space<vmem>>) target_semaphore(%arg9 : memref<!tpu.dma_semaphore, #tpu.memory_space<semaphore_mem>>)
    %add3A_14 = arith.constant 8 : i32
    %add3A_15 = arith.addi %mul3A_2, %add3A_14 : i32
    %dma_start3A_16 = arith.constant 8 : i32
    %dma_start3A_17 = arith.constant 0 : i32
    %dma_start3A_18 = tpu.memref_slice %arg6[%dma_start3A_16, %dma_start3A_17] : memref<32x480xf32, #tpu.memory_space<vmem>> -> memref<8x480xf32, #tpu.memory_space<vmem>>
    %dma_start3A_19 = arith.constant 0 : i32
    %dma_start3A_20 = tpu.memref_slice %arg2[%add3A_15, %dma_start3A_19] : memref<1024x480xf32, #tpu.memory_space<hbm>> -> memref<8x480xf32, #tpu.memory_space<hbm>>
    %dma_start3A_21 = arith.constant 8 : i32
    %dma_start3A_22 = arith.constant 0 : i32
    %dma_start3A_23 = tpu.memref_slice %arg6[%dma_start3A_21, %dma_start3A_22] : memref<32x480xf32, #tpu.memory_space<vmem>> -> memref<8x480xf32, #tpu.memory_space<vmem>>
    %dma_start3A_24 = arith.constant 0 : i32
    %dma_start3A_25 = tpu.memref_slice %arg2[%add3A_15, %dma_start3A_24] : memref<1024x480xf32, #tpu.memory_space<hbm>> -> memref<8x480xf32, #tpu.memory_space<hbm>>
    tpu.enqueue_dma source(%dma_start3A_25 : memref<8x480xf32, #tpu.memory_space<hbm>>) target(%dma_start3A_23 : memref<8x480xf32, #tpu.memory_space<vmem>>) target_semaphore(%arg10 : memref<!tpu.dma_semaphore, #tpu.memory_space<semaphore_mem>>)
    %add3A_26 = arith.constant 16 : i32
    %add3A_27 = arith.addi %mul3A_2, %add3A_26 : i32
    %dma_start3A_28 = arith.constant 16 : i32
    %dma_start3A_29 = arith.constant 0 : i32
    %dma_start3A_30 = tpu.memref_slice %arg6[%dma_start3A_28, %dma_start3A_29] : memref<32x480xf32, #tpu.memory_space<vmem>> -> memref<8x480xf32, #tpu.memory_space<vmem>>
    %dma_start3A_31 = arith.constant 0 : i32
    %dma_start3A_32 = tpu.memref_slice %arg2[%add3A_27, %dma_start3A_31] : memref<1024x480xf32, #tpu.memory_space<hbm>> -> memref<8x480xf32, #tpu.memory_space<hbm>>
    %dma_start3A_33 = arith.constant 16 : i32
    %dma_start3A_34 = arith.constant 0 : i32
    %dma_start3A_35 = tpu.memref_slice %arg6[%dma_start3A_33, %dma_start3A_34] : memref<32x480xf32, #tpu.memory_space<vmem>> -> memref<8x480xf32, #tpu.memory_space<vmem>>
    %dma_start3A_36 = arith.constant 0 : i32
    %dma_start3A_37 = tpu.memref_slice %arg2[%add3A_27, %dma_start3A_36] : memref<1024x480xf32, #tpu.memory_space<hbm>> -> memref<8x480xf32, #tpu.memory_space<hbm>>
    tpu.enqueue_dma source(%dma_start3A_37 : memref<8x480xf32, #tpu.memory_space<hbm>>) target(%dma_start3A_35 : memref<8x480xf32, #tpu.memory_space<vmem>>) target_semaphore(%arg11 : memref<!tpu.dma_semaphore, #tpu.memory_space<semaphore_mem>>)
    %add3A_38 = arith.constant 24 : i32
    %add3A_39 = arith.addi %mul3A_2, %add3A_38 : i32
    %dma_start3A_40 = arith.constant 24 : i32
    %dma_start3A_41 = arith.constant 0 : i32
    %dma_start3A_42 = tpu.memref_slice %arg6[%dma_start3A_40, %dma_start3A_41] : memref<32x480xf32, #tpu.memory_space<vmem>> -> memref<8x480xf32, #tpu.memory_space<vmem>>
    %dma_start3A_43 = arith.constant 0 : i32
    %dma_start3A_44 = tpu.memref_slice %arg2[%add3A_39, %dma_start3A_43] : memref<1024x480xf32, #tpu.memory_space<hbm>> -> memref<8x480xf32, #tpu.memory_space<hbm>>
    %dma_start3A_45 = arith.constant 24 : i32
    %dma_start3A_46 = arith.constant 0 : i32
    %dma_start3A_47 = tpu.memref_slice %arg6[%dma_start3A_45, %dma_start3A_46] : memref<32x480xf32, #tpu.memory_space<vmem>> -> memref<8x480xf32, #tpu.memory_space<vmem>>
    %dma_start3A_48 = arith.constant 0 : i32
    %dma_start3A_49 = tpu.memref_slice %arg2[%add3A_39, %dma_start3A_48] : memref<1024x480xf32, #tpu.memory_space<hbm>> -> memref<8x480xf32, #tpu.memory_space<hbm>>
    tpu.enqueue_dma source(%dma_start3A_49 : memref<8x480xf32, #tpu.memory_space<hbm>>) target(%dma_start3A_47 : memref<8x480xf32, #tpu.memory_space<vmem>>) target_semaphore(%arg12 : memref<!tpu.dma_semaphore, #tpu.memory_space<semaphore_mem>>)
    tpu.wait_dma2 semaphore(%arg8 : memref<!tpu.dma_semaphore, #tpu.memory_space<semaphore_mem>>) src(%arg3 : memref<12x16xf32, #tpu.memory_space<hbm>>) dst(%arg5 : memref<12x16xf32, #tpu.memory_space<vmem>>)
    %broadcast_in_dim3A = arith.constant 0.000000e+00 : f32
    %broadcast_in_dim3A_50 = vector.broadcast %broadcast_in_dim3A : f32 to vector<16xf32>
    %broadcast_in_dim3A_51 = arith.constant 0.000000e+00 : f32
    %broadcast_in_dim3A_52 = vector.broadcast %broadcast_in_dim3A_51 : f32 to vector<16xf32>
    %get3A = arith.constant 0 : i32
    %get3A_53 = arith.index_cast %get3A : i32 to index
    %get3A_54 = arith.constant 0 : index
    %get3A_55 = tpu.vector_load %arg5[%get3A_53, %get3A_54] {strides = array<i32>} : memref<12x16xf32, #tpu.memory_space<vmem>>, vector<1x16xf32>,
    %get3A_56 = vector.shape_cast %get3A_55 : vector<1x16xf32> to vector<16xf32>
    %get3A_57 = arith.constant 4 : i32
    %get3A_58 = arith.index_cast %get3A_57 : i32 to index
    %get3A_59 = arith.constant 0 : index
    %get3A_60 = tpu.vector_load %arg5[%get3A_58, %get3A_59] {strides = array<i32>} : memref<12x16xf32, #tpu.memory_space<vmem>>, vector<1x16xf32>,
    %get3A_61 = vector.shape_cast %get3A_60 : vector<1x16xf32> to vector<16xf32>
    %get3A_62 = arith.constant 8 : i32
    %get3A_63 = arith.index_cast %get3A_62 : i32 to index
    %get3A_64 = arith.constant 0 : index
    %get3A_65 = tpu.vector_load %arg5[%get3A_63, %get3A_64] {strides = array<i32>} : memref<12x16xf32, #tpu.memory_space<vmem>>, vector<1x16xf32>,
    %get3A_66 = vector.shape_cast %get3A_65 : vector<1x16xf32> to vector<16xf32>
    %sub3A = arith.subf %get3A_56, %get3A_61 : vector<16xf32>
    %mul3A_67 = arith.mulf %sub3A, %get3A_66 : vector<16xf32>
    %add3A_68 = arith.addf %broadcast_in_dim3A_50, %mul3A_67 : vector<16xf32>
    %mul3A_69 = arith.mulf %get3A_61, %get3A_66 : vector<16xf32>
    %add3A_70 = arith.addf %broadcast_in_dim3A_52, %mul3A_69 : vector<16xf32>
    %get3A_71 = arith.constant 1 : i32
    %get3A_72 = arith.index_cast %get3A_71 : i32 to index
    %get3A_73 = arith.constant 0 : index
    %get3A_74 = tpu.vector_load %arg5[%get3A_72, %get3A_73] {strides = array<i32>} : memref<12x16xf32, #tpu.memory_space<vmem>>, vector<1x16xf32>,
    %get3A_75 = vector.shape_cast %get3A_74 : vector<1x16xf32> to vector<16xf32>
    %get3A_76 = arith.constant 5 : i32
    %get3A_77 = arith.index_cast %get3A_76 : i32 to index
    %get3A_78 = arith.constant 0 : index
    %get3A_79 = tpu.vector_load %arg5[%get3A_77, %get3A_78] {strides = array<i32>} : memref<12x16xf32, #tpu.memory_space<vmem>>, vector<1x16xf32>,
    %get3A_80 = vector.shape_cast %get3A_79 : vector<1x16xf32> to vector<16xf32>
    %get3A_81 = arith.constant 9 : i32
    %get3A_82 = arith.index_cast %get3A_81 : i32 to index
    %get3A_83 = arith.constant 0 : index
    %get3A_84 = tpu.vector_load %arg5[%get3A_82, %get3A_83] {strides = array<i32>} : memref<12x16xf32, #tpu.memory_space<vmem>>, vector<1x16xf32>,
    %get3A_85 = vector.shape_cast %get3A_84 : vector<1x16xf32> to vector<16xf32>
    %sub3A_86 = arith.subf %get3A_75, %get3A_80 : vector<16xf32>
    %mul3A_87 = arith.mulf %sub3A_86, %get3A_85 : vector<16xf32>
    %add3A_88 = arith.addf %add3A_68, %mul3A_87 : vector<16xf32>
    %mul3A_89 = arith.mulf %get3A_80, %get3A_85 : vector<16xf32>
    %add3A_90 = arith.addf %add3A_70, %mul3A_89 : vector<16xf32>
    %get3A_91 = arith.constant 2 : i32
    %get3A_92 = arith.index_cast %get3A_91 : i32 to index
    %get3A_93 = arith.constant 0 : index
    %get3A_94 = tpu.vector_load %arg5[%get3A_92, %get3A_93] {strides = array<i32>} : memref<12x16xf32, #tpu.memory_space<vmem>>, vector<1x16xf32>,
    %get3A_95 = vector.shape_cast %get3A_94 : vector<1x16xf32> to vector<16xf32>
    %get3A_96 = arith.constant 6 : i32
    %get3A_97 = arith.index_cast %get3A_96 : i32 to index
    %get3A_98 = arith.constant 0 : index
    %get3A_99 = tpu.vector_load %arg5[%get3A_97, %get3A_98] {strides = array<i32>} : memref<12x16xf32, #tpu.memory_space<vmem>>, vector<1x16xf32>,
    %get3A_100 = vector.shape_cast %get3A_99 : vector<1x16xf32> to vector<16xf32>
    %get3A_101 = arith.constant 10 : i32
    %get3A_102 = arith.index_cast %get3A_101 : i32 to index
    %get3A_103 = arith.constant 0 : index
    %get3A_104 = tpu.vector_load %arg5[%get3A_102, %get3A_103] {strides = array<i32>} : memref<12x16xf32, #tpu.memory_space<vmem>>, vector<1x16xf32>,
    %get3A_105 = vector.shape_cast %get3A_104 : vector<1x16xf32> to vector<16xf32>
    %sub3A_106 = arith.subf %get3A_95, %get3A_100 : vector<16xf32>
    %mul3A_107 = arith.mulf %sub3A_106, %get3A_105 : vector<16xf32>
    %add3A_108 = arith.addf %add3A_88, %mul3A_107 : vector<16xf32>
    %mul3A_109 = arith.mulf %get3A_100, %get3A_105 : vector<16xf32>
    %add3A_110 = arith.addf %add3A_90, %mul3A_109 : vector<16xf32>
    %get3A_111 = arith.constant 3 : i32
    %get3A_112 = arith.index_cast %get3A_111 : i32 to index
    %get3A_113 = arith.constant 0 : index
    %get3A_114 = tpu.vector_load %arg5[%get3A_112, %get3A_113] {strides = array<i32>} : memref<12x16xf32, #tpu.memory_space<vmem>>, vector<1x16xf32>,
    %get3A_115 = vector.shape_cast %get3A_114 : vector<1x16xf32> to vector<16xf32>
    %get3A_116 = arith.constant 7 : i32
    %get3A_117 = arith.index_cast %get3A_116 : i32 to index
    %get3A_118 = arith.constant 0 : index
    %get3A_119 = tpu.vector_load %arg5[%get3A_117, %get3A_118] {strides = array<i32>} : memref<12x16xf32, #tpu.memory_space<vmem>>, vector<1x16xf32>,
    %get3A_120 = vector.shape_cast %get3A_119 : vector<1x16xf32> to vector<16xf32>
    %get3A_121 = arith.constant 11 : i32
    %get3A_122 = arith.index_cast %get3A_121 : i32 to index
    %get3A_123 = arith.constant 0 : index
    %get3A_124 = tpu.vector_load %arg5[%get3A_122, %get3A_123] {strides = array<i32>} : memref<12x16xf32, #tpu.memory_space<vmem>>, vector<1x16xf32>,
    %get3A_125 = vector.shape_cast %get3A_124 : vector<1x16xf32> to vector<16xf32>
    %sub3A_126 = arith.subf %get3A_115, %get3A_120 : vector<16xf32>
    %mul3A_127 = arith.mulf %sub3A_126, %get3A_125 : vector<16xf32>
    %add3A_128 = arith.addf %add3A_108, %mul3A_127 : vector<16xf32>
    %mul3A_129 = arith.mulf %get3A_120, %get3A_125 : vector<16xf32>
    %add3A_130 = arith.addf %add3A_110, %mul3A_129 : vector<16xf32>
    %slice3A = vector.extract_strided_slice %add3A_130 {offsets = [0], sizes = [1], strides = [1]} : vector<16xf32> to vector<1xf32>
    %squeeze3A = vector.extract %slice3A[0] : f32 from vector<1xf32>
    %broadcast_in_dim3A_131 = vector.broadcast %squeeze3A : f32 to vector<16xf32>
    %slice3A_132 = vector.extract_strided_slice %add3A_130 {offsets = [1], sizes = [1], strides = [1]} : vector<16xf32> to vector<1xf32>
    %squeeze3A_133 = vector.extract %slice3A_132[0] : f32 from vector<1xf32>
    %broadcast_in_dim3A_134 = vector.broadcast %squeeze3A_133 : f32 to vector<16xf32>
    %add3A_135 = arith.addf %broadcast_in_dim3A_131, %broadcast_in_dim3A_134 : vector<16xf32>
    %slice3A_136 = vector.extract_strided_slice %add3A_130 {offsets = [2], sizes = [1], strides = [1]} : vector<16xf32> to vector<1xf32>
    %squeeze3A_137 = vector.extract %slice3A_136[0] : f32 from vector<1xf32>
    %broadcast_in_dim3A_138 = vector.broadcast %squeeze3A_137 : f32 to vector<16xf32>
    %add3A_139 = arith.addf %add3A_135, %broadcast_in_dim3A_138 : vector<16xf32>
    %slice3A_140 = vector.extract_strided_slice %add3A_130 {offsets = [3], sizes = [1], strides = [1]} : vector<16xf32> to vector<1xf32>
    %squeeze3A_141 = vector.extract %slice3A_140[0] : f32 from vector<1xf32>
    %broadcast_in_dim3A_142 = vector.broadcast %squeeze3A_141 : f32 to vector<16xf32>
    %add3A_143 = arith.addf %add3A_139, %broadcast_in_dim3A_142 : vector<16xf32>
    %slice3A_144 = vector.extract_strided_slice %add3A_130 {offsets = [4], sizes = [1], strides = [1]} : vector<16xf32> to vector<1xf32>
    %squeeze3A_145 = vector.extract %slice3A_144[0] : f32 from vector<1xf32>
    %broadcast_in_dim3A_146 = vector.broadcast %squeeze3A_145 : f32 to vector<16xf32>
    %add3A_147 = arith.addf %add3A_143, %broadcast_in_dim3A_146 : vector<16xf32>
    %slice3A_148 = vector.extract_strided_slice %add3A_130 {offsets = [5], sizes = [1], strides = [1]} : vector<16xf32> to vector<1xf32>
    %squeeze3A_149 = vector.extract %slice3A_148[0] : f32 from vector<1xf32>
    %broadcast_in_dim3A_150 = vector.broadcast %squeeze3A_149 : f32 to vector<16xf32>
    %add3A_151 = arith.addf %add3A_147, %broadcast_in_dim3A_150 : vector<16xf32>
    %slice3A_152 = vector.extract_strided_slice %add3A_130 {offsets = [6], sizes = [1], strides = [1]} : vector<16xf32> to vector<1xf32>
    %squeeze3A_153 = vector.extract %slice3A_152[0] : f32 from vector<1xf32>
    %broadcast_in_dim3A_154 = vector.broadcast %squeeze3A_153 : f32 to vector<16xf32>
    %add3A_155 = arith.addf %add3A_151, %broadcast_in_dim3A_154 : vector<16xf32>
    %slice3A_156 = vector.extract_strided_slice %add3A_130 {offsets = [7], sizes = [1], strides = [1]} : vector<16xf32> to vector<1xf32>
    %squeeze3A_157 = vector.extract %slice3A_156[0] : f32 from vector<1xf32>
    %broadcast_in_dim3A_158 = vector.broadcast %squeeze3A_157 : f32 to vector<16xf32>
    %add3A_159 = arith.addf %add3A_155, %broadcast_in_dim3A_158 : vector<16xf32>
    %slice3A_160 = vector.extract_strided_slice %add3A_130 {offsets = [8], sizes = [1], strides = [1]} : vector<16xf32> to vector<1xf32>
    %squeeze3A_161 = vector.extract %slice3A_160[0] : f32 from vector<1xf32>
    %broadcast_in_dim3A_162 = vector.broadcast %squeeze3A_161 : f32 to vector<16xf32>
    %add3A_163 = arith.addf %add3A_159, %broadcast_in_dim3A_162 : vector<16xf32>
    %slice3A_164 = vector.extract_strided_slice %add3A_130 {offsets = [9], sizes = [1], strides = [1]} : vector<16xf32> to vector<1xf32>
    %squeeze3A_165 = vector.extract %slice3A_164[0] : f32 from vector<1xf32>
    %broadcast_in_dim3A_166 = vector.broadcast %squeeze3A_165 : f32 to vector<16xf32>
    %add3A_167 = arith.addf %add3A_163, %broadcast_in_dim3A_166 : vector<16xf32>
    %slice3A_168 = vector.extract_strided_slice %add3A_130 {offsets = [10], sizes = [1], strides = [1]} : vector<16xf32> to vector<1xf32>
    %squeeze3A_169 = vector.extract %slice3A_168[0] : f32 from vector<1xf32>
    %broadcast_in_dim3A_170 = vector.broadcast %squeeze3A_169 : f32 to vector<16xf32>
    %add3A_171 = arith.addf %add3A_167, %broadcast_in_dim3A_170 : vector<16xf32>
    %slice3A_172 = vector.extract_strided_slice %add3A_130 {offsets = [11], sizes = [1], strides = [1]} : vector<16xf32> to vector<1xf32>
    %squeeze3A_173 = vector.extract %slice3A_172[0] : f32 from vector<1xf32>
    %broadcast_in_dim3A_174 = vector.broadcast %squeeze3A_173 : f32 to vector<16xf32>
    %add3A_175 = arith.addf %add3A_171, %broadcast_in_dim3A_174 : vector<16xf32>
    %slice3A_176 = vector.extract_strided_slice %add3A_130 {offsets = [12], sizes = [1], strides = [1]} : vector<16xf32> to vector<1xf32>
    %squeeze3A_177 = vector.extract %slice3A_176[0] : f32 from vector<1xf32>
    %broadcast_in_dim3A_178 = vector.broadcast %squeeze3A_177 : f32 to vector<16xf32>
    %add3A_179 = arith.addf %add3A_175, %broadcast_in_dim3A_178 : vector<16xf32>
    %slice3A_180 = vector.extract_strided_slice %add3A_130 {offsets = [13], sizes = [1], strides = [1]} : vector<16xf32> to vector<1xf32>
    %squeeze3A_181 = vector.extract %slice3A_180[0] : f32 from vector<1xf32>
    %broadcast_in_dim3A_182 = vector.broadcast %squeeze3A_181 : f32 to vector<16xf32>
    %add3A_183 = arith.addf %add3A_179, %broadcast_in_dim3A_182 : vector<16xf32>
    %slice3A_184 = vector.extract_strided_slice %add3A_130 {offsets = [14], sizes = [1], strides = [1]} : vector<16xf32> to vector<1xf32>
    %squeeze3A_185 = vector.extract %slice3A_184[0] : f32 from vector<1xf32>
    %broadcast_in_dim3A_186 = vector.broadcast %squeeze3A_185 : f32 to vector<16xf32>
    %add3A_187 = arith.addf %add3A_183, %broadcast_in_dim3A_186 : vector<16xf32>
    %slice3A_188 = vector.extract_strided_slice %add3A_130 {offsets = [15], sizes = [1], strides = [1]} : vector<16xf32> to vector<1xf32>
    %squeeze3A_189 = vector.extract %slice3A_188[0] : f32 from vector<1xf32>
    %broadcast_in_dim3A_190 = vector.broadcast %squeeze3A_189 : f32 to vector<16xf32>
    %add3A_191 = arith.addf %add3A_187, %broadcast_in_dim3A_190 : vector<16xf32>
    %slice3A_192 = vector.extract_strided_slice %add3A_128 {offsets = [0], sizes = [1], strides = [1]} : vector<16xf32> to vector<1xf32>
    %squeeze3A_193 = vector.extract %slice3A_192[0] : f32 from vector<1xf32>
    %broadcast_in_dim3A_194 = vector.broadcast %squeeze3A_193 : f32 to vector<16xf32>
    %slice3A_195 = vector.extract_strided_slice %add3A_128 {offsets = [1], sizes = [1], strides = [1]} : vector<16xf32> to vector<1xf32>
    %squeeze3A_196 = vector.extract %slice3A_195[0] : f32 from vector<1xf32>
    %broadcast_in_dim3A_197 = vector.broadcast %squeeze3A_196 : f32 to vector<16xf32>
    %slice3A_198 = vector.extract_strided_slice %add3A_128 {offsets = [2], sizes = [1], strides = [1]} : vector<16xf32> to vector<1xf32>
    %squeeze3A_199 = vector.extract %slice3A_198[0] : f32 from vector<1xf32>
    %broadcast_in_dim3A_200 = vector.broadcast %squeeze3A_199 : f32 to vector<16xf32>
    %slice3A_201 = vector.extract_strided_slice %add3A_128 {offsets = [3], sizes = [1], strides = [1]} : vector<16xf32> to vector<1xf32>
    %squeeze3A_202 = vector.extract %slice3A_201[0] : f32 from vector<1xf32>
    %broadcast_in_dim3A_203 = vector.broadcast %squeeze3A_202 : f32 to vector<16xf32>
    %slice3A_204 = vector.extract_strided_slice %add3A_128 {offsets = [4], sizes = [1], strides = [1]} : vector<16xf32> to vector<1xf32>
    %squeeze3A_205 = vector.extract %slice3A_204[0] : f32 from vector<1xf32>
    %broadcast_in_dim3A_206 = vector.broadcast %squeeze3A_205 : f32 to vector<16xf32>
    %slice3A_207 = vector.extract_strided_slice %add3A_128 {offsets = [5], sizes = [1], strides = [1]} : vector<16xf32> to vector<1xf32>
    %squeeze3A_208 = vector.extract %slice3A_207[0] : f32 from vector<1xf32>
    %broadcast_in_dim3A_209 = vector.broadcast %squeeze3A_208 : f32 to vector<16xf32>
    %slice3A_210 = vector.extract_strided_slice %add3A_128 {offsets = [6], sizes = [1], strides = [1]} : vector<16xf32> to vector<1xf32>
    %squeeze3A_211 = vector.extract %slice3A_210[0] : f32 from vector<1xf32>
    %broadcast_in_dim3A_212 = vector.broadcast %squeeze3A_211 : f32 to vector<16xf32>
    %slice3A_213 = vector.extract_strided_slice %add3A_128 {offsets = [7], sizes = [1], strides = [1]} : vector<16xf32> to vector<1xf32>
    %squeeze3A_214 = vector.extract %slice3A_213[0] : f32 from vector<1xf32>
    %broadcast_in_dim3A_215 = vector.broadcast %squeeze3A_214 : f32 to vector<16xf32>
    %slice3A_216 = vector.extract_strided_slice %add3A_128 {offsets = [8], sizes = [1], strides = [1]} : vector<16xf32> to vector<1xf32>
    %squeeze3A_217 = vector.extract %slice3A_216[0] : f32 from vector<1xf32>
    %broadcast_in_dim3A_218 = vector.broadcast %squeeze3A_217 : f32 to vector<16xf32>
    %slice3A_219 = vector.extract_strided_slice %add3A_128 {offsets = [9], sizes = [1], strides = [1]} : vector<16xf32> to vector<1xf32>
    %squeeze3A_220 = vector.extract %slice3A_219[0] : f32 from vector<1xf32>
    %broadcast_in_dim3A_221 = vector.broadcast %squeeze3A_220 : f32 to vector<16xf32>
    %slice3A_222 = vector.extract_strided_slice %add3A_128 {offsets = [10], sizes = [1], strides = [1]} : vector<16xf32> to vector<1xf32>
    %squeeze3A_223 = vector.extract %slice3A_222[0] : f32 from vector<1xf32>
    %broadcast_in_dim3A_224 = vector.broadcast %squeeze3A_223 : f32 to vector<16xf32>
    %slice3A_225 = vector.extract_strided_slice %add3A_128 {offsets = [11], sizes = [1], strides = [1]} : vector<16xf32> to vector<1xf32>
    %squeeze3A_226 = vector.extract %slice3A_225[0] : f32 from vector<1xf32>
    %broadcast_in_dim3A_227 = vector.broadcast %squeeze3A_226 : f32 to vector<16xf32>
    %slice3A_228 = vector.extract_strided_slice %add3A_128 {offsets = [12], sizes = [1], strides = [1]} : vector<16xf32> to vector<1xf32>
    %squeeze3A_229 = vector.extract %slice3A_228[0] : f32 from vector<1xf32>
    %broadcast_in_dim3A_230 = vector.broadcast %squeeze3A_229 : f32 to vector<16xf32>
    %slice3A_231 = vector.extract_strided_slice %add3A_128 {offsets = [13], sizes = [1], strides = [1]} : vector<16xf32> to vector<1xf32>
    %squeeze3A_232 = vector.extract %slice3A_231[0] : f32 from vector<1xf32>
    %broadcast_in_dim3A_233 = vector.broadcast %squeeze3A_232 : f32 to vector<16xf32>
    %slice3A_234 = vector.extract_strided_slice %add3A_128 {offsets = [14], sizes = [1], strides = [1]} : vector<16xf32> to vector<1xf32>
    %squeeze3A_235 = vector.extract %slice3A_234[0] : f32 from vector<1xf32>
    %broadcast_in_dim3A_236 = vector.broadcast %squeeze3A_235 : f32 to vector<16xf32>
    %dma_wait3A = arith.constant 0 : i32
    %dma_wait3A_237 = arith.constant 0 : i32
    %dma_wait3A_238 = tpu.memref_slice %arg6[%dma_wait3A, %dma_wait3A_237] : memref<32x480xf32, #tpu.memory_space<vmem>> -> memref<8x480xf32, #tpu.memory_space<vmem>>
    %dma_wait3A_239 = arith.constant 0 : i32
    %dma_wait3A_240 = tpu.memref_slice %arg2[%add3A_4, %dma_wait3A_239] : memref<1024x480xf32, #tpu.memory_space<hbm>> -> memref<8x480xf32, #tpu.memory_space<hbm>>
    %dma_wait3A_241 = arith.constant 0 : i32
    %dma_wait3A_242 = arith.constant 0 : i32
    %dma_wait3A_243 = tpu.memref_slice %arg6[%dma_wait3A_241, %dma_wait3A_242] : memref<32x480xf32, #tpu.memory_space<vmem>> -> memref<8x480xf32, #tpu.memory_space<vmem>>
    %dma_wait3A_244 = arith.constant 0 : i32
    %dma_wait3A_245 = tpu.memref_slice %arg2[%add3A_4, %dma_wait3A_244] : memref<1024x480xf32, #tpu.memory_space<hbm>> -> memref<8x480xf32, #tpu.memory_space<hbm>>
    tpu.wait_dma2 semaphore(%arg9 : memref<!tpu.dma_semaphore, #tpu.memory_space<semaphore_mem>>) src(%dma_wait3A_245 : memref<8x480xf32, #tpu.memory_space<hbm>>) dst(%dma_wait3A_243 : memref<8x480xf32, #tpu.memory_space<vmem>>)
    %scan3A = arith.constant 0 : i32
    %scan3A_246 = arith.constant 8 : i32
    %scan3A_247 = arith.addi %scan3A, %scan3A_246 : i32
    %scan3A_248 = arith.constant 1 : i32
    scf.for %scan3A_383 = %scan3A to %scan3A_247 step %scan3A_248  : i32 {
      %mul3A_384 = arith.constant 1 : i32
      %mul3A_385 = arith.muli %scan3A_383, %mul3A_384 : i32
      %add3A_386 = arith.constant 0 : i32
      %add3A_387 = arith.addi %add3A_386, %mul3A_385 : i32
      %get3A_388 = arith.index_cast %add3A_387 : i32 to index
      %get3A_389 = arith.constant 0 : index
      %get3A_390 = tpu.vector_load %arg6[%get3A_388, %get3A_389] {strides = array<i32>} : memref<32x480xf32, #tpu.memory_space<vmem>>, vector<1x16xf32>,
      %get3A_391 = vector.shape_cast %get3A_390 : vector<1x16xf32> to vector<16xf32>
      %mul3A_392 = arith.mulf %get3A_391, %broadcast_in_dim3A_194 : vector<16xf32>
      %get3A_393 = arith.index_cast %add3A_387 : i32 to index
      %get3A_394 = arith.constant 32 : index
      %get3A_395 = tpu.vector_load %arg6[%get3A_393, %get3A_394] {strides = array<i32>} : memref<32x480xf32, #tpu.memory_space<vmem>>, vector<1x16xf32>,
      %get3A_396 = vector.shape_cast %get3A_395 : vector<1x16xf32> to vector<16xf32>
      %mul3A_397 = arith.mulf %get3A_396, %broadcast_in_dim3A_197 : vector<16xf32>
      %add3A_398 = arith.addf %mul3A_392, %mul3A_397 : vector<16xf32>
      %max3A = arith.maximumf %get3A_391, %get3A_396 : vector<16xf32>
      %get3A_399 = arith.index_cast %add3A_387 : i32 to index
      %get3A_400 = arith.constant 64 : index
      %get3A_401 = tpu.vector_load %arg6[%get3A_399, %get3A_400] {strides = array<i32>} : memref<32x480xf32, #tpu.memory_space<vmem>>, vector<1x16xf32>,
      %get3A_402 = vector.shape_cast %get3A_401 : vector<1x16xf32> to vector<16xf32>
      %mul3A_403 = arith.mulf %get3A_402, %broadcast_in_dim3A_200 : vector<16xf32>
      %add3A_404 = arith.addf %add3A_398, %mul3A_403 : vector<16xf32>
      %max3A_405 = arith.maximumf %max3A, %get3A_402 : vector<16xf32>
      %get3A_406 = arith.index_cast %add3A_387 : i32 to index
      %get3A_407 = arith.constant 96 : index
      %get3A_408 = tpu.vector_load %arg6[%get3A_406, %get3A_407] {strides = array<i32>} : memref<32x480xf32, #tpu.memory_space<vmem>>, vector<1x16xf32>,
      %get3A_409 = vector.shape_cast %get3A_408 : vector<1x16xf32> to vector<16xf32>
      %mul3A_410 = arith.mulf %get3A_409, %broadcast_in_dim3A_203 : vector<16xf32>
      %add3A_411 = arith.addf %add3A_404, %mul3A_410 : vector<16xf32>
      %max3A_412 = arith.maximumf %max3A_405, %get3A_409 : vector<16xf32>
      %get3A_413 = arith.index_cast %add3A_387 : i32 to index
      %get3A_414 = arith.constant 128 : index
      %get3A_415 = tpu.vector_load %arg6[%get3A_413, %get3A_414] {strides = array<i32>} : memref<32x480xf32, #tpu.memory_space<vmem>>, vector<1x16xf32>,
      %get3A_416 = vector.shape_cast %get3A_415 : vector<1x16xf32> to vector<16xf32>
      %mul3A_417 = arith.mulf %get3A_416, %broadcast_in_dim3A_206 : vector<16xf32>
      %add3A_418 = arith.addf %add3A_411, %mul3A_417 : vector<16xf32>
      %max3A_419 = arith.maximumf %max3A_412, %get3A_416 : vector<16xf32>
      %get3A_420 = arith.index_cast %add3A_387 : i32 to index
      %get3A_421 = arith.constant 160 : index
      %get3A_422 = tpu.vector_load %arg6[%get3A_420, %get3A_421] {strides = array<i32>} : memref<32x480xf32, #tpu.memory_space<vmem>>, vector<1x16xf32>,
      %get3A_423 = vector.shape_cast %get3A_422 : vector<1x16xf32> to vector<16xf32>
      %mul3A_424 = arith.mulf %get3A_423, %broadcast_in_dim3A_209 : vector<16xf32>
      %add3A_425 = arith.addf %add3A_418, %mul3A_424 : vector<16xf32>
      %max3A_426 = arith.maximumf %max3A_419, %get3A_423 : vector<16xf32>
      %get3A_427 = arith.index_cast %add3A_387 : i32 to index
      %get3A_428 = arith.constant 192 : index
      %get3A_429 = tpu.vector_load %arg6[%get3A_427, %get3A_428] {strides = array<i32>} : memref<32x480xf32, #tpu.memory_space<vmem>>, vector<1x16xf32>,
      %get3A_430 = vector.shape_cast %get3A_429 : vector<1x16xf32> to vector<16xf32>
      %mul3A_431 = arith.mulf %get3A_430, %broadcast_in_dim3A_212 : vector<16xf32>
      %add3A_432 = arith.addf %add3A_425, %mul3A_431 : vector<16xf32>
      %max3A_433 = arith.maximumf %max3A_426, %get3A_430 : vector<16xf32>
      %get3A_434 = arith.index_cast %add3A_387 : i32 to index
      %get3A_435 = arith.constant 224 : index
      %get3A_436 = tpu.vector_load %arg6[%get3A_434, %get3A_435] {strides = array<i32>} : memref<32x480xf32, #tpu.memory_space<vmem>>, vector<1x16xf32>,
      %get3A_437 = vector.shape_cast %get3A_436 : vector<1x16xf32> to vector<16xf32>
      %mul3A_438 = arith.mulf %get3A_437, %broadcast_in_dim3A_215 : vector<16xf32>
      %add3A_439 = arith.addf %add3A_432, %mul3A_438 : vector<16xf32>
      %max3A_440 = arith.maximumf %max3A_433, %get3A_437 : vector<16xf32>
      %get3A_441 = arith.index_cast %add3A_387 : i32 to index
      %get3A_442 = arith.constant 256 : index
      %get3A_443 = tpu.vector_load %arg6[%get3A_441, %get3A_442] {strides = array<i32>} : memref<32x480xf32, #tpu.memory_space<vmem>>, vector<1x16xf32>,
      %get3A_444 = vector.shape_cast %get3A_443 : vector<1x16xf32> to vector<16xf32>
      %mul3A_445 = arith.mulf %get3A_444, %broadcast_in_dim3A_218 : vector<16xf32>
      %add3A_446 = arith.addf %add3A_439, %mul3A_445 : vector<16xf32>
      %max3A_447 = arith.maximumf %max3A_440, %get3A_444 : vector<16xf32>
      %get3A_448 = arith.index_cast %add3A_387 : i32 to index
      %get3A_449 = arith.constant 288 : index
      %get3A_450 = tpu.vector_load %arg6[%get3A_448, %get3A_449] {strides = array<i32>} : memref<32x480xf32, #tpu.memory_space<vmem>>, vector<1x16xf32>,
      %get3A_451 = vector.shape_cast %get3A_450 : vector<1x16xf32> to vector<16xf32>
      %mul3A_452 = arith.mulf %get3A_451, %broadcast_in_dim3A_221 : vector<16xf32>
      %add3A_453 = arith.addf %add3A_446, %mul3A_452 : vector<16xf32>
      %max3A_454 = arith.maximumf %max3A_447, %get3A_451 : vector<16xf32>
      %get3A_455 = arith.index_cast %add3A_387 : i32 to index
      %get3A_456 = arith.constant 320 : index
      %get3A_457 = tpu.vector_load %arg6[%get3A_455, %get3A_456] {strides = array<i32>} : memref<32x480xf32, #tpu.memory_space<vmem>>, vector<1x16xf32>,
      %get3A_458 = vector.shape_cast %get3A_457 : vector<1x16xf32> to vector<16xf32>
      %mul3A_459 = arith.mulf %get3A_458, %broadcast_in_dim3A_224 : vector<16xf32>
      %add3A_460 = arith.addf %add3A_453, %mul3A_459 : vector<16xf32>
      %max3A_461 = arith.maximumf %max3A_454, %get3A_458 : vector<16xf32>
      %get3A_462 = arith.index_cast %add3A_387 : i32 to index
      %get3A_463 = arith.constant 352 : index
      %get3A_464 = tpu.vector_load %arg6[%get3A_462, %get3A_463] {strides = array<i32>} : memref<32x480xf32, #tpu.memory_space<vmem>>, vector<1x16xf32>,
      %get3A_465 = vector.shape_cast %get3A_464 : vector<1x16xf32> to vector<16xf32>
      %mul3A_466 = arith.mulf %get3A_465, %broadcast_in_dim3A_227 : vector<16xf32>
      %add3A_467 = arith.addf %add3A_460, %mul3A_466 : vector<16xf32>
      %max3A_468 = arith.maximumf %max3A_461, %get3A_465 : vector<16xf32>
      %get3A_469 = arith.index_cast %add3A_387 : i32 to index
      %get3A_470 = arith.constant 384 : index
      %get3A_471 = tpu.vector_load %arg6[%get3A_469, %get3A_470] {strides = array<i32>} : memref<32x480xf32, #tpu.memory_space<vmem>>, vector<1x16xf32>,
      %get3A_472 = vector.shape_cast %get3A_471 : vector<1x16xf32> to vector<16xf32>
      %mul3A_473 = arith.mulf %get3A_472, %broadcast_in_dim3A_230 : vector<16xf32>
      %add3A_474 = arith.addf %add3A_467, %mul3A_473 : vector<16xf32>
      %max3A_475 = arith.maximumf %max3A_468, %get3A_472 : vector<16xf32>
      %get3A_476 = arith.index_cast %add3A_387 : i32 to index
      %get3A_477 = arith.constant 416 : index
      %get3A_478 = tpu.vector_load %arg6[%get3A_476, %get3A_477] {strides = array<i32>} : memref<32x480xf32, #tpu.memory_space<vmem>>, vector<1x16xf32>,
      %get3A_479 = vector.shape_cast %get3A_478 : vector<1x16xf32> to vector<16xf32>
      %mul3A_480 = arith.mulf %get3A_479, %broadcast_in_dim3A_233 : vector<16xf32>
      %add3A_481 = arith.addf %add3A_474, %mul3A_480 : vector<16xf32>
      %max3A_482 = arith.maximumf %max3A_475, %get3A_479 : vector<16xf32>
      %get3A_483 = arith.index_cast %add3A_387 : i32 to index
      %get3A_484 = arith.constant 448 : index
      %get3A_485 = tpu.vector_load %arg6[%get3A_483, %get3A_484] {strides = array<i32>} : memref<32x480xf32, #tpu.memory_space<vmem>>, vector<1x16xf32>,
      %get3A_486 = vector.shape_cast %get3A_485 : vector<1x16xf32> to vector<16xf32>
      %mul3A_487 = arith.mulf %get3A_486, %broadcast_in_dim3A_236 : vector<16xf32>
      %add3A_488 = arith.addf %add3A_481, %mul3A_487 : vector<16xf32>
      %max3A_489 = arith.maximumf %max3A_482, %get3A_486 : vector<16xf32>
      %mul3A_490 = arith.mulf %add3A_191, %max3A_489 : vector<16xf32>
      %add3A_491 = arith.addf %add3A_488, %mul3A_490 : vector<16xf32>
      %swap3A = arith.index_cast %add3A_387 : i32 to index
      %swap3A_492 = arith.constant 0 : index
      %swap3A_493 = tpu.vector_load %arg7[%swap3A, %swap3A_492] {strides = array<i32>} : memref<32x32xf32, #tpu.memory_space<vmem>>, vector<1x16xf32>,
      %swap3A_494 = vector.shape_cast %swap3A_493 : vector<1x16xf32> to vector<16xf32>
      %swap3A_495 = vector.shape_cast %add3A_491 : vector<16xf32> to vector<1x16xf32>
      tpu.vector_store %arg7[%swap3A, %swap3A_492], %swap3A_495 {strides = array<i32>} : memref<32x32xf32, #tpu.memory_space<vmem>>, vector<1x16xf32>,
      %get3A_496 = arith.index_cast %add3A_387 : i32 to index
      %get3A_497 = arith.constant 16 : index
      %get3A_498 = tpu.vector_load %arg6[%get3A_496, %get3A_497] {strides = array<i32>} : memref<32x480xf32, #tpu.memory_space<vmem>>, vector<1x16xf32>,
      %get3A_499 = vector.shape_cast %get3A_498 : vector<1x16xf32> to vector<16xf32>
      %mul3A_500 = arith.mulf %get3A_499, %broadcast_in_dim3A_194 : vector<16xf32>
      %get3A_501 = arith.index_cast %add3A_387 : i32 to index
      %get3A_502 = arith.constant 48 : index
      %get3A_503 = tpu.vector_load %arg6[%get3A_501, %get3A_502] {strides = array<i32>} : memref<32x480xf32, #tpu.memory_space<vmem>>, vector<1x16xf32>,
      %get3A_504 = vector.shape_cast %get3A_503 : vector<1x16xf32> to vector<16xf32>
      %mul3A_505 = arith.mulf %get3A_504, %broadcast_in_dim3A_197 : vector<16xf32>
      %add3A_506 = arith.addf %mul3A_500, %mul3A_505 : vector<16xf32>
      %max3A_507 = arith.maximumf %get3A_499, %get3A_504 : vector<16xf32>
      %get3A_508 = arith.index_cast %add3A_387 : i32 to index
      %get3A_509 = arith.constant 80 : index
      %get3A_510 = tpu.vector_load %arg6[%get3A_508, %get3A_509] {strides = array<i32>} : memref<32x480xf32, #tpu.memory_space<vmem>>, vector<1x16xf32>,
      %get3A_511 = vector.shape_cast %get3A_510 : vector<1x16xf32> to vector<16xf32>
      %mul3A_512 = arith.mulf %get3A_511, %broadcast_in_dim3A_200 : vector<16xf32>
      %add3A_513 = arith.addf %add3A_506, %mul3A_512 : vector<16xf32>
      %max3A_514 = arith.maximumf %max3A_507, %get3A_511 : vector<16xf32>
      %get3A_515 = arith.index_cast %add3A_387 : i32 to index
      %get3A_516 = arith.constant 112 : index
      %get3A_517 = tpu.vector_load %arg6[%get3A_515, %get3A_516] {strides = array<i32>} : memref<32x480xf32, #tpu.memory_space<vmem>>, vector<1x16xf32>,
      %get3A_518 = vector.shape_cast %get3A_517 : vector<1x16xf32> to vector<16xf32>
      %mul3A_519 = arith.mulf %get3A_518, %broadcast_in_dim3A_203 : vector<16xf32>
      %add3A_520 = arith.addf %add3A_513, %mul3A_519 : vector<16xf32>
      %max3A_521 = arith.maximumf %max3A_514, %get3A_518 : vector<16xf32>
      %get3A_522 = arith.index_cast %add3A_387 : i32 to index
      %get3A_523 = arith.constant 144 : index
      %get3A_524 = tpu.vector_load %arg6[%get3A_522, %get3A_523] {strides = array<i32>} : memref<32x480xf32, #tpu.memory_space<vmem>>, vector<1x16xf32>,
      %get3A_525 = vector.shape_cast %get3A_524 : vector<1x16xf32> to vector<16xf32>
      %mul3A_526 = arith.mulf %get3A_525, %broadcast_in_dim3A_206 : vector<16xf32>
      %add3A_527 = arith.addf %add3A_520, %mul3A_526 : vector<16xf32>
      %max3A_528 = arith.maximumf %max3A_521, %get3A_525 : vector<16xf32>
      %get3A_529 = arith.index_cast %add3A_387 : i32 to index
      %get3A_530 = arith.constant 176 : index
      %get3A_531 = tpu.vector_load %arg6[%get3A_529, %get3A_530] {strides = array<i32>} : memref<32x480xf32, #tpu.memory_space<vmem>>, vector<1x16xf32>,
      %get3A_532 = vector.shape_cast %get3A_531 : vector<1x16xf32> to vector<16xf32>
      %mul3A_533 = arith.mulf %get3A_532, %broadcast_in_dim3A_209 : vector<16xf32>
      %add3A_534 = arith.addf %add3A_527, %mul3A_533 : vector<16xf32>
      %max3A_535 = arith.maximumf %max3A_528, %get3A_532 : vector<16xf32>
      %get3A_536 = arith.index_cast %add3A_387 : i32 to index
      %get3A_537 = arith.constant 208 : index
      %get3A_538 = tpu.vector_load %arg6[%get3A_536, %get3A_537] {strides = array<i32>} : memref<32x480xf32, #tpu.memory_space<vmem>>, vector<1x16xf32>,
      %get3A_539 = vector.shape_cast %get3A_538 : vector<1x16xf32> to vector<16xf32>
      %mul3A_540 = arith.mulf %get3A_539, %broadcast_in_dim3A_212 : vector<16xf32>
      %add3A_541 = arith.addf %add3A_534, %mul3A_540 : vector<16xf32>
      %max3A_542 = arith.maximumf %max3A_535, %get3A_539 : vector<16xf32>
      %get3A_543 = arith.index_cast %add3A_387 : i32 to index
      %get3A_544 = arith.constant 240 : index
      %get3A_545 = tpu.vector_load %arg6[%get3A_543, %get3A_544] {strides = array<i32>} : memref<32x480xf32, #tpu.memory_space<vmem>>, vector<1x16xf32>,
      %get3A_546 = vector.shape_cast %get3A_545 : vector<1x16xf32> to vector<16xf32>
      %mul3A_547 = arith.mulf %get3A_546, %broadcast_in_dim3A_215 : vector<16xf32>
      %add3A_548 = arith.addf %add3A_541, %mul3A_547 : vector<16xf32>
      %max3A_549 = arith.maximumf %max3A_542, %get3A_546 : vector<16xf32>
      %get3A_550 = arith.index_cast %add3A_387 : i32 to index
      %get3A_551 = arith.constant 272 : index
      %get3A_552 = tpu.vector_load %arg6[%get3A_550, %get3A_551] {strides = array<i32>} : memref<32x480xf32, #tpu.memory_space<vmem>>, vector<1x16xf32>,
      %get3A_553 = vector.shape_cast %get3A_552 : vector<1x16xf32> to vector<16xf32>
      %mul3A_554 = arith.mulf %get3A_553, %broadcast_in_dim3A_218 : vector<16xf32>
      %add3A_555 = arith.addf %add3A_548, %mul3A_554 : vector<16xf32>
      %max3A_556 = arith.maximumf %max3A_549, %get3A_553 : vector<16xf32>
      %get3A_557 = arith.index_cast %add3A_387 : i32 to index
      %get3A_558 = arith.constant 304 : index
      %get3A_559 = tpu.vector_load %arg6[%get3A_557, %get3A_558] {strides = array<i32>} : memref<32x480xf32, #tpu.memory_space<vmem>>, vector<1x16xf32>,
      %get3A_560 = vector.shape_cast %get3A_559 : vector<1x16xf32> to vector<16xf32>
      %mul3A_561 = arith.mulf %get3A_560, %broadcast_in_dim3A_221 : vector<16xf32>
      %add3A_562 = arith.addf %add3A_555, %mul3A_561 : vector<16xf32>
      %max3A_563 = arith.maximumf %max3A_556, %get3A_560 : vector<16xf32>
      %get3A_564 = arith.index_cast %add3A_387 : i32 to index
      %get3A_565 = arith.constant 336 : index
      %get3A_566 = tpu.vector_load %arg6[%get3A_564, %get3A_565] {strides = array<i32>} : memref<32x480xf32, #tpu.memory_space<vmem>>, vector<1x16xf32>,
      %get3A_567 = vector.shape_cast %get3A_566 : vector<1x16xf32> to vector<16xf32>
      %mul3A_568 = arith.mulf %get3A_567, %broadcast_in_dim3A_224 : vector<16xf32>
      %add3A_569 = arith.addf %add3A_562, %mul3A_568 : vector<16xf32>
      %max3A_570 = arith.maximumf %max3A_563, %get3A_567 : vector<16xf32>
      %get3A_571 = arith.index_cast %add3A_387 : i32 to index
      %get3A_572 = arith.constant 368 : index
      %get3A_573 = tpu.vector_load %arg6[%get3A_571, %get3A_572] {strides = array<i32>} : memref<32x480xf32, #tpu.memory_space<vmem>>, vector<1x16xf32>,
      %get3A_574 = vector.shape_cast %get3A_573 : vector<1x16xf32> to vector<16xf32>
      %mul3A_575 = arith.mulf %get3A_574, %broadcast_in_dim3A_227 : vector<16xf32>
      %add3A_576 = arith.addf %add3A_569, %mul3A_575 : vector<16xf32>
      %max3A_577 = arith.maximumf %max3A_570, %get3A_574 : vector<16xf32>
      %get3A_578 = arith.index_cast %add3A_387 : i32 to index
      %get3A_579 = arith.constant 400 : index
      %get3A_580 = tpu.vector_load %arg6[%get3A_578, %get3A_579] {strides = array<i32>} : memref<32x480xf32, #tpu.memory_space<vmem>>, vector<1x16xf32>,
      %get3A_581 = vector.shape_cast %get3A_580 : vector<1x16xf32> to vector<16xf32>
      %mul3A_582 = arith.mulf %get3A_581, %broadcast_in_dim3A_230 : vector<16xf32>
      %add3A_583 = arith.addf %add3A_576, %mul3A_582 : vector<16xf32>
      %max3A_584 = arith.maximumf %max3A_577, %get3A_581 : vector<16xf32>
      %get3A_585 = arith.index_cast %add3A_387 : i32 to index
      %get3A_586 = arith.constant 432 : index
      %get3A_587 = tpu.vector_load %arg6[%get3A_585, %get3A_586] {strides = array<i32>} : memref<32x480xf32, #tpu.memory_space<vmem>>, vector<1x16xf32>,
      %get3A_588 = vector.shape_cast %get3A_587 : vector<1x16xf32> to vector<16xf32>
      %mul3A_589 = arith.mulf %get3A_588, %broadcast_in_dim3A_233 : vector<16xf32>
      %add3A_590 = arith.addf %add3A_583, %mul3A_589 : vector<16xf32>
      %max3A_591 = arith.maximumf %max3A_584, %get3A_588 : vector<16xf32>
      %get3A_592 = arith.index_cast %add3A_387 : i32 to index
      %get3A_593 = arith.constant 464 : index
      %get3A_594 = tpu.vector_load %arg6[%get3A_592, %get3A_593] {strides = array<i32>} : memref<32x480xf32, #tpu.memory_space<vmem>>, vector<1x16xf32>,
      %get3A_595 = vector.shape_cast %get3A_594 : vector<1x16xf32> to vector<16xf32>
      %mul3A_596 = arith.mulf %get3A_595, %broadcast_in_dim3A_236 : vector<16xf32>
      %add3A_597 = arith.addf %add3A_590, %mul3A_596 : vector<16xf32>
      %max3A_598 = arith.maximumf %max3A_591, %get3A_595 : vector<16xf32>
      %mul3A_599 = arith.mulf %add3A_191, %max3A_598 : vector<16xf32>
      %add3A_600 = arith.addf %add3A_597, %mul3A_599 : vector<16xf32>
      %swap3A_601 = arith.index_cast %add3A_387 : i32 to index
      %swap3A_602 = arith.constant 16 : index
      %swap3A_603 = tpu.vector_load %arg7[%swap3A_601, %swap3A_602] {strides = array<i32>} : memref<32x32xf32, #tpu.memory_space<vmem>>, vector<1x16xf32>,
      %swap3A_604 = vector.shape_cast %swap3A_603 : vector<1x16xf32> to vector<16xf32>
      %swap3A_605 = vector.shape_cast %add3A_600 : vector<16xf32> to vector<1x16xf32>
      tpu.vector_store %arg7[%swap3A_601, %swap3A_602], %swap3A_605 {strides = array<i32>} : memref<32x32xf32, #tpu.memory_space<vmem>>, vector<1x16xf32>,
    }
    %scan3A_249 = arith.constant 8 : i32
    %add3A_250 = arith.constant 0 : i32
    %add3A_251 = arith.addi %mul3A_2, %add3A_250 : i32
    %dma_start3A_252 = arith.constant 0 : i32
    %dma_start3A_253 = arith.constant 0 : i32
    %dma_start3A_254 = tpu.memref_slice %arg7[%dma_start3A_252, %dma_start3A_253] : memref<32x32xf32, #tpu.memory_space<vmem>> -> memref<8x32xf32, #tpu.memory_space<vmem>>
    %dma_start3A_255 = arith.constant 0 : i32
    %dma_start3A_256 = tpu.memref_slice %arg4[%add3A_251, %dma_start3A_255] : memref<1024x32xf32, #tpu.memory_space<hbm>> -> memref<8x32xf32, #tpu.memory_space<hbm>>
    %dma_start3A_257 = arith.constant 0 : i32
    %dma_start3A_258 = tpu.memref_slice %arg4[%add3A_251, %dma_start3A_257] : memref<1024x32xf32, #tpu.memory_space<hbm>> -> memref<8x32xf32, #tpu.memory_space<hbm>>
    %dma_start3A_259 = arith.constant 0 : i32
    %dma_start3A_260 = arith.constant 0 : i32
    %dma_start3A_261 = tpu.memref_slice %arg7[%dma_start3A_259, %dma_start3A_260] : memref<32x32xf32, #tpu.memory_space<vmem>> -> memref<8x32xf32, #tpu.memory_space<vmem>>
    tpu.enqueue_dma source(%dma_start3A_261 : memref<8x32xf32, #tpu.memory_space<vmem>>) target(%dma_start3A_258 : memref<8x32xf32, #tpu.memory_space<hbm>>) target_semaphore(%arg8 : memref<!tpu.dma_semaphore, #tpu.memory_space<semaphore_mem>>)
    %dma_wait3A_262 = arith.constant 8 : i32
    %dma_wait3A_263 = arith.constant 0 : i32
    %dma_wait3A_264 = tpu.memref_slice %arg6[%dma_wait3A_262, %dma_wait3A_263] : memref<32x480xf32, #tpu.memory_space<vmem>> -> memref<8x480xf32, #tpu.memory_space<vmem>>
    %dma_wait3A_265 = arith.constant 0 : i32
    %dma_wait3A_266 = tpu.memref_slice %arg2[%add3A_15, %dma_wait3A_265] : memref<1024x480xf32, #tpu.memory_space<hbm>> -> memref<8x480xf32, #tpu.memory_space<hbm>>
    %dma_wait3A_267 = arith.constant 8 : i32
    %dma_wait3A_268 = arith.constant 0 : i32
    %dma_wait3A_269 = tpu.memref_slice %arg6[%dma_wait3A_267, %dma_wait3A_268] : memref<32x480xf32, #tpu.memory_space<vmem>> -> memref<8x480xf32, #tpu.memory_space<vmem>>
    %dma_wait3A_270 = arith.constant 0 : i32
    %dma_wait3A_271 = tpu.memref_slice %arg2[%add3A_15, %dma_wait3A_270] : memref<1024x480xf32, #tpu.memory_space<hbm>> -> memref<8x480xf32, #tpu.memory_space<hbm>>
    tpu.wait_dma2 semaphore(%arg10 : memref<!tpu.dma_semaphore, #tpu.memory_space<semaphore_mem>>) src(%dma_wait3A_271 : memref<8x480xf32, #tpu.memory_space<hbm>>) dst(%dma_wait3A_269 : memref<8x480xf32, #tpu.memory_space<vmem>>)
    %scan3A_272 = arith.constant 0 : i32
    %scan3A_273 = arith.constant 8 : i32
    %scan3A_274 = arith.addi %scan3A_272, %scan3A_273 : i32
    %scan3A_275 = arith.constant 1 : i32
    scf.for %scan3A_383 = %scan3A_272 to %scan3A_274 step %scan3A_275  : i32 {
      %mul3A_384 = arith.constant 1 : i32
      %mul3A_385 = arith.muli %scan3A_383, %mul3A_384 : i32
      %add3A_386 = arith.constant 8 : i32
      %add3A_387 = arith.addi %add3A_386, %mul3A_385 : i32
      %get3A_388 = arith.index_cast %add3A_387 : i32 to index
      %get3A_389 = arith.constant 0 : index
      %get3A_390 = tpu.vector_load %arg6[%get3A_388, %get3A_389] {strides = array<i32>} : memref<32x480xf32, #tpu.memory_space<vmem>>, vector<1x16xf32>,
      %get3A_391 = vector.shape_cast %get3A_390 : vector<1x16xf32> to vector<16xf32>
      %mul3A_392 = arith.mulf %get3A_391, %broadcast_in_dim3A_194 : vector<16xf32>
      %get3A_393 = arith.index_cast %add3A_387 : i32 to index
      %get3A_394 = arith.constant 32 : index
      %get3A_395 = tpu.vector_load %arg6[%get3A_393, %get3A_394] {strides = array<i32>} : memref<32x480xf32, #tpu.memory_space<vmem>>, vector<1x16xf32>,
      %get3A_396 = vector.shape_cast %get3A_395 : vector<1x16xf32> to vector<16xf32>
      %mul3A_397 = arith.mulf %get3A_396, %broadcast_in_dim3A_197 : vector<16xf32>
      %add3A_398 = arith.addf %mul3A_392, %mul3A_397 : vector<16xf32>
      %max3A = arith.maximumf %get3A_391, %get3A_396 : vector<16xf32>
      %get3A_399 = arith.index_cast %add3A_387 : i32 to index
      %get3A_400 = arith.constant 64 : index
      %get3A_401 = tpu.vector_load %arg6[%get3A_399, %get3A_400] {strides = array<i32>} : memref<32x480xf32, #tpu.memory_space<vmem>>, vector<1x16xf32>,
      %get3A_402 = vector.shape_cast %get3A_401 : vector<1x16xf32> to vector<16xf32>
      %mul3A_403 = arith.mulf %get3A_402, %broadcast_in_dim3A_200 : vector<16xf32>
      %add3A_404 = arith.addf %add3A_398, %mul3A_403 : vector<16xf32>
      %max3A_405 = arith.maximumf %max3A, %get3A_402 : vector<16xf32>
      %get3A_406 = arith.index_cast %add3A_387 : i32 to index
      %get3A_407 = arith.constant 96 : index
      %get3A_408 = tpu.vector_load %arg6[%get3A_406, %get3A_407] {strides = array<i32>} : memref<32x480xf32, #tpu.memory_space<vmem>>, vector<1x16xf32>,
      %get3A_409 = vector.shape_cast %get3A_408 : vector<1x16xf32> to vector<16xf32>
      %mul3A_410 = arith.mulf %get3A_409, %broadcast_in_dim3A_203 : vector<16xf32>
      %add3A_411 = arith.addf %add3A_404, %mul3A_410 : vector<16xf32>
      %max3A_412 = arith.maximumf %max3A_405, %get3A_409 : vector<16xf32>
      %get3A_413 = arith.index_cast %add3A_387 : i32 to index
      %get3A_414 = arith.constant 128 : index
      %get3A_415 = tpu.vector_load %arg6[%get3A_413, %get3A_414] {strides = array<i32>} : memref<32x480xf32, #tpu.memory_space<vmem>>, vector<1x16xf32>,
      %get3A_416 = vector.shape_cast %get3A_415 : vector<1x16xf32> to vector<16xf32>
      %mul3A_417 = arith.mulf %get3A_416, %broadcast_in_dim3A_206 : vector<16xf32>
      %add3A_418 = arith.addf %add3A_411, %mul3A_417 : vector<16xf32>
      %max3A_419 = arith.maximumf %max3A_412, %get3A_416 : vector<16xf32>
      %get3A_420 = arith.index_cast %add3A_387 : i32 to index
      %get3A_421 = arith.constant 160 : index
      %get3A_422 = tpu.vector_load %arg6[%get3A_420, %get3A_421] {strides = array<i32>} : memref<32x480xf32, #tpu.memory_space<vmem>>, vector<1x16xf32>,
      %get3A_423 = vector.shape_cast %get3A_422 : vector<1x16xf32> to vector<16xf32>
      %mul3A_424 = arith.mulf %get3A_423, %broadcast_in_dim3A_209 : vector<16xf32>
      %add3A_425 = arith.addf %add3A_418, %mul3A_424 : vector<16xf32>
      %max3A_426 = arith.maximumf %max3A_419, %get3A_423 : vector<16xf32>
      %get3A_427 = arith.index_cast %add3A_387 : i32 to index
      %get3A_428 = arith.constant 192 : index
      %get3A_429 = tpu.vector_load %arg6[%get3A_427, %get3A_428] {strides = array<i32>} : memref<32x480xf32, #tpu.memory_space<vmem>>, vector<1x16xf32>,
      %get3A_430 = vector.shape_cast %get3A_429 : vector<1x16xf32> to vector<16xf32>
      %mul3A_431 = arith.mulf %get3A_430, %broadcast_in_dim3A_212 : vector<16xf32>
      %add3A_432 = arith.addf %add3A_425, %mul3A_431 : vector<16xf32>
      %max3A_433 = arith.maximumf %max3A_426, %get3A_430 : vector<16xf32>
      %get3A_434 = arith.index_cast %add3A_387 : i32 to index
      %get3A_435 = arith.constant 224 : index
      %get3A_436 = tpu.vector_load %arg6[%get3A_434, %get3A_435] {strides = array<i32>} : memref<32x480xf32, #tpu.memory_space<vmem>>, vector<1x16xf32>,
      %get3A_437 = vector.shape_cast %get3A_436 : vector<1x16xf32> to vector<16xf32>
      %mul3A_438 = arith.mulf %get3A_437, %broadcast_in_dim3A_215 : vector<16xf32>
      %add3A_439 = arith.addf %add3A_432, %mul3A_438 : vector<16xf32>
      %max3A_440 = arith.maximumf %max3A_433, %get3A_437 : vector<16xf32>
      %get3A_441 = arith.index_cast %add3A_387 : i32 to index
      %get3A_442 = arith.constant 256 : index
      %get3A_443 = tpu.vector_load %arg6[%get3A_441, %get3A_442] {strides = array<i32>} : memref<32x480xf32, #tpu.memory_space<vmem>>, vector<1x16xf32>,
      %get3A_444 = vector.shape_cast %get3A_443 : vector<1x16xf32> to vector<16xf32>
      %mul3A_445 = arith.mulf %get3A_444, %broadcast_in_dim3A_218 : vector<16xf32>
      %add3A_446 = arith.addf %add3A_439, %mul3A_445 : vector<16xf32>
      %max3A_447 = arith.maximumf %max3A_440, %get3A_444 : vector<16xf32>
      %get3A_448 = arith.index_cast %add3A_387 : i32 to index
      %get3A_449 = arith.constant 288 : index
      %get3A_450 = tpu.vector_load %arg6[%get3A_448, %get3A_449] {strides = array<i32>} : memref<32x480xf32, #tpu.memory_space<vmem>>, vector<1x16xf32>,
      %get3A_451 = vector.shape_cast %get3A_450 : vector<1x16xf32> to vector<16xf32>
      %mul3A_452 = arith.mulf %get3A_451, %broadcast_in_dim3A_221 : vector<16xf32>
      %add3A_453 = arith.addf %add3A_446, %mul3A_452 : vector<16xf32>
      %max3A_454 = arith.maximumf %max3A_447, %get3A_451 : vector<16xf32>
      %get3A_455 = arith.index_cast %add3A_387 : i32 to index
      %get3A_456 = arith.constant 320 : index
      %get3A_457 = tpu.vector_load %arg6[%get3A_455, %get3A_456] {strides = array<i32>} : memref<32x480xf32, #tpu.memory_space<vmem>>, vector<1x16xf32>,
      %get3A_458 = vector.shape_cast %get3A_457 : vector<1x16xf32> to vector<16xf32>
      %mul3A_459 = arith.mulf %get3A_458, %broadcast_in_dim3A_224 : vector<16xf32>
      %add3A_460 = arith.addf %add3A_453, %mul3A_459 : vector<16xf32>
      %max3A_461 = arith.maximumf %max3A_454, %get3A_458 : vector<16xf32>
      %get3A_462 = arith.index_cast %add3A_387 : i32 to index
      %get3A_463 = arith.constant 352 : index
      %get3A_464 = tpu.vector_load %arg6[%get3A_462, %get3A_463] {strides = array<i32>} : memref<32x480xf32, #tpu.memory_space<vmem>>, vector<1x16xf32>,
      %get3A_465 = vector.shape_cast %get3A_464 : vector<1x16xf32> to vector<16xf32>
      %mul3A_466 = arith.mulf %get3A_465, %broadcast_in_dim3A_227 : vector<16xf32>
      %add3A_467 = arith.addf %add3A_460, %mul3A_466 : vector<16xf32>
      %max3A_468 = arith.maximumf %max3A_461, %get3A_465 : vector<16xf32>
      %get3A_469 = arith.index_cast %add3A_387 : i32 to index
      %get3A_470 = arith.constant 384 : index
      %get3A_471 = tpu.vector_load %arg6[%get3A_469, %get3A_470] {strides = array<i32>} : memref<32x480xf32, #tpu.memory_space<vmem>>, vector<1x16xf32>,
      %get3A_472 = vector.shape_cast %get3A_471 : vector<1x16xf32> to vector<16xf32>
      %mul3A_473 = arith.mulf %get3A_472, %broadcast_in_dim3A_230 : vector<16xf32>
      %add3A_474 = arith.addf %add3A_467, %mul3A_473 : vector<16xf32>
      %max3A_475 = arith.maximumf %max3A_468, %get3A_472 : vector<16xf32>
      %get3A_476 = arith.index_cast %add3A_387 : i32 to index
      %get3A_477 = arith.constant 416 : index
      %get3A_478 = tpu.vector_load %arg6[%get3A_476, %get3A_477] {strides = array<i32>} : memref<32x480xf32, #tpu.memory_space<vmem>>, vector<1x16xf32>,
      %get3A_479 = vector.shape_cast %get3A_478 : vector<1x16xf32> to vector<16xf32>
      %mul3A_480 = arith.mulf %get3A_479, %broadcast_in_dim3A_233 : vector<16xf32>
      %add3A_481 = arith.addf %add3A_474, %mul3A_480 : vector<16xf32>
      %max3A_482 = arith.maximumf %max3A_475, %get3A_479 : vector<16xf32>
      %get3A_483 = arith.index_cast %add3A_387 : i32 to index
      %get3A_484 = arith.constant 448 : index
      %get3A_485 = tpu.vector_load %arg6[%get3A_483, %get3A_484] {strides = array<i32>} : memref<32x480xf32, #tpu.memory_space<vmem>>, vector<1x16xf32>,
      %get3A_486 = vector.shape_cast %get3A_485 : vector<1x16xf32> to vector<16xf32>
      %mul3A_487 = arith.mulf %get3A_486, %broadcast_in_dim3A_236 : vector<16xf32>
      %add3A_488 = arith.addf %add3A_481, %mul3A_487 : vector<16xf32>
      %max3A_489 = arith.maximumf %max3A_482, %get3A_486 : vector<16xf32>
      %mul3A_490 = arith.mulf %add3A_191, %max3A_489 : vector<16xf32>
      %add3A_491 = arith.addf %add3A_488, %mul3A_490 : vector<16xf32>
      %swap3A = arith.index_cast %add3A_387 : i32 to index
      %swap3A_492 = arith.constant 0 : index
      %swap3A_493 = tpu.vector_load %arg7[%swap3A, %swap3A_492] {strides = array<i32>} : memref<32x32xf32, #tpu.memory_space<vmem>>, vector<1x16xf32>,
      %swap3A_494 = vector.shape_cast %swap3A_493 : vector<1x16xf32> to vector<16xf32>
      %swap3A_495 = vector.shape_cast %add3A_491 : vector<16xf32> to vector<1x16xf32>
      tpu.vector_store %arg7[%swap3A, %swap3A_492], %swap3A_495 {strides = array<i32>} : memref<32x32xf32, #tpu.memory_space<vmem>>, vector<1x16xf32>,
      %get3A_496 = arith.index_cast %add3A_387 : i32 to index
      %get3A_497 = arith.constant 16 : index
      %get3A_498 = tpu.vector_load %arg6[%get3A_496, %get3A_497] {strides = array<i32>} : memref<32x480xf32, #tpu.memory_space<vmem>>, vector<1x16xf32>,
      %get3A_499 = vector.shape_cast %get3A_498 : vector<1x16xf32> to vector<16xf32>
      %mul3A_500 = arith.mulf %get3A_499, %broadcast_in_dim3A_194 : vector<16xf32>
      %get3A_501 = arith.index_cast %add3A_387 : i32 to index
      %get3A_502 = arith.constant 48 : index
      %get3A_503 = tpu.vector_load %arg6[%get3A_501, %get3A_502] {strides = array<i32>} : memref<32x480xf32, #tpu.memory_space<vmem>>, vector<1x16xf32>,
      %get3A_504 = vector.shape_cast %get3A_503 : vector<1x16xf32> to vector<16xf32>
      %mul3A_505 = arith.mulf %get3A_504, %broadcast_in_dim3A_197 : vector<16xf32>
      %add3A_506 = arith.addf %mul3A_500, %mul3A_505 : vector<16xf32>
      %max3A_507 = arith.maximumf %get3A_499, %get3A_504 : vector<16xf32>
      %get3A_508 = arith.index_cast %add3A_387 : i32 to index
      %get3A_509 = arith.constant 80 : index
      %get3A_510 = tpu.vector_load %arg6[%get3A_508, %get3A_509] {strides = array<i32>} : memref<32x480xf32, #tpu.memory_space<vmem>>, vector<1x16xf32>,
      %get3A_511 = vector.shape_cast %get3A_510 : vector<1x16xf32> to vector<16xf32>
      %mul3A_512 = arith.mulf %get3A_511, %broadcast_in_dim3A_200 : vector<16xf32>
      %add3A_513 = arith.addf %add3A_506, %mul3A_512 : vector<16xf32>
      %max3A_514 = arith.maximumf %max3A_507, %get3A_511 : vector<16xf32>
      %get3A_515 = arith.index_cast %add3A_387 : i32 to index
      %get3A_516 = arith.constant 112 : index
      %get3A_517 = tpu.vector_load %arg6[%get3A_515, %get3A_516] {strides = array<i32>} : memref<32x480xf32, #tpu.memory_space<vmem>>, vector<1x16xf32>,
      %get3A_518 = vector.shape_cast %get3A_517 : vector<1x16xf32> to vector<16xf32>
      %mul3A_519 = arith.mulf %get3A_518, %broadcast_in_dim3A_203 : vector<16xf32>
      %add3A_520 = arith.addf %add3A_513, %mul3A_519 : vector<16xf32>
      %max3A_521 = arith.maximumf %max3A_514, %get3A_518 : vector<16xf32>
      %get3A_522 = arith.index_cast %add3A_387 : i32 to index
      %get3A_523 = arith.constant 144 : index
      %get3A_524 = tpu.vector_load %arg6[%get3A_522, %get3A_523] {strides = array<i32>} : memref<32x480xf32, #tpu.memory_space<vmem>>, vector<1x16xf32>,
      %get3A_525 = vector.shape_cast %get3A_524 : vector<1x16xf32> to vector<16xf32>
      %mul3A_526 = arith.mulf %get3A_525, %broadcast_in_dim3A_206 : vector<16xf32>
      %add3A_527 = arith.addf %add3A_520, %mul3A_526 : vector<16xf32>
      %max3A_528 = arith.maximumf %max3A_521, %get3A_525 : vector<16xf32>
      %get3A_529 = arith.index_cast %add3A_387 : i32 to index
      %get3A_530 = arith.constant 176 : index
      %get3A_531 = tpu.vector_load %arg6[%get3A_529, %get3A_530] {strides = array<i32>} : memref<32x480xf32, #tpu.memory_space<vmem>>, vector<1x16xf32>,
      %get3A_532 = vector.shape_cast %get3A_531 : vector<1x16xf32> to vector<16xf32>
      %mul3A_533 = arith.mulf %get3A_532, %broadcast_in_dim3A_209 : vector<16xf32>
      %add3A_534 = arith.addf %add3A_527, %mul3A_533 : vector<16xf32>
      %max3A_535 = arith.maximumf %max3A_528, %get3A_532 : vector<16xf32>
      %get3A_536 = arith.index_cast %add3A_387 : i32 to index
      %get3A_537 = arith.constant 208 : index
      %get3A_538 = tpu.vector_load %arg6[%get3A_536, %get3A_537] {strides = array<i32>} : memref<32x480xf32, #tpu.memory_space<vmem>>, vector<1x16xf32>,
      %get3A_539 = vector.shape_cast %get3A_538 : vector<1x16xf32> to vector<16xf32>
      %mul3A_540 = arith.mulf %get3A_539, %broadcast_in_dim3A_212 : vector<16xf32>
      %add3A_541 = arith.addf %add3A_534, %mul3A_540 : vector<16xf32>
      %max3A_542 = arith.maximumf %max3A_535, %get3A_539 : vector<16xf32>
      %get3A_543 = arith.index_cast %add3A_387 : i32 to index
      %get3A_544 = arith.constant 240 : index
      %get3A_545 = tpu.vector_load %arg6[%get3A_543, %get3A_544] {strides = array<i32>} : memref<32x480xf32, #tpu.memory_space<vmem>>, vector<1x16xf32>,
      %get3A_546 = vector.shape_cast %get3A_545 : vector<1x16xf32> to vector<16xf32>
      %mul3A_547 = arith.mulf %get3A_546, %broadcast_in_dim3A_215 : vector<16xf32>
      %add3A_548 = arith.addf %add3A_541, %mul3A_547 : vector<16xf32>
      %max3A_549 = arith.maximumf %max3A_542, %get3A_546 : vector<16xf32>
      %get3A_550 = arith.index_cast %add3A_387 : i32 to index
      %get3A_551 = arith.constant 272 : index
      %get3A_552 = tpu.vector_load %arg6[%get3A_550, %get3A_551] {strides = array<i32>} : memref<32x480xf32, #tpu.memory_space<vmem>>, vector<1x16xf32>,
      %get3A_553 = vector.shape_cast %get3A_552 : vector<1x16xf32> to vector<16xf32>
      %mul3A_554 = arith.mulf %get3A_553, %broadcast_in_dim3A_218 : vector<16xf32>
      %add3A_555 = arith.addf %add3A_548, %mul3A_554 : vector<16xf32>
      %max3A_556 = arith.maximumf %max3A_549, %get3A_553 : vector<16xf32>
      %get3A_557 = arith.index_cast %add3A_387 : i32 to index
      %get3A_558 = arith.constant 304 : index
      %get3A_559 = tpu.vector_load %arg6[%get3A_557, %get3A_558] {strides = array<i32>} : memref<32x480xf32, #tpu.memory_space<vmem>>, vector<1x16xf32>,
      %get3A_560 = vector.shape_cast %get3A_559 : vector<1x16xf32> to vector<16xf32>
      %mul3A_561 = arith.mulf %get3A_560, %broadcast_in_dim3A_221 : vector<16xf32>
      %add3A_562 = arith.addf %add3A_555, %mul3A_561 : vector<16xf32>
      %max3A_563 = arith.maximumf %max3A_556, %get3A_560 : vector<16xf32>
      %get3A_564 = arith.index_cast %add3A_387 : i32 to index
      %get3A_565 = arith.constant 336 : index
      %get3A_566 = tpu.vector_load %arg6[%get3A_564, %get3A_565] {strides = array<i32>} : memref<32x480xf32, #tpu.memory_space<vmem>>, vector<1x16xf32>,
      %get3A_567 = vector.shape_cast %get3A_566 : vector<1x16xf32> to vector<16xf32>
      %mul3A_568 = arith.mulf %get3A_567, %broadcast_in_dim3A_224 : vector<16xf32>
      %add3A_569 = arith.addf %add3A_562, %mul3A_568 : vector<16xf32>
      %max3A_570 = arith.maximumf %max3A_563, %get3A_567 : vector<16xf32>
      %get3A_571 = arith.index_cast %add3A_387 : i32 to index
      %get3A_572 = arith.constant 368 : index
      %get3A_573 = tpu.vector_load %arg6[%get3A_571, %get3A_572] {strides = array<i32>} : memref<32x480xf32, #tpu.memory_space<vmem>>, vector<1x16xf32>,
      %get3A_574 = vector.shape_cast %get3A_573 : vector<1x16xf32> to vector<16xf32>
      %mul3A_575 = arith.mulf %get3A_574, %broadcast_in_dim3A_227 : vector<16xf32>
      %add3A_576 = arith.addf %add3A_569, %mul3A_575 : vector<16xf32>
      %max3A_577 = arith.maximumf %max3A_570, %get3A_574 : vector<16xf32>
      %get3A_578 = arith.index_cast %add3A_387 : i32 to index
      %get3A_579 = arith.constant 400 : index
      %get3A_580 = tpu.vector_load %arg6[%get3A_578, %get3A_579] {strides = array<i32>} : memref<32x480xf32, #tpu.memory_space<vmem>>, vector<1x16xf32>,
      %get3A_581 = vector.shape_cast %get3A_580 : vector<1x16xf32> to vector<16xf32>
      %mul3A_582 = arith.mulf %get3A_581, %broadcast_in_dim3A_230 : vector<16xf32>
      %add3A_583 = arith.addf %add3A_576, %mul3A_582 : vector<16xf32>
      %max3A_584 = arith.maximumf %max3A_577, %get3A_581 : vector<16xf32>
      %get3A_585 = arith.index_cast %add3A_387 : i32 to index
      %get3A_586 = arith.constant 432 : index
      %get3A_587 = tpu.vector_load %arg6[%get3A_585, %get3A_586] {strides = array<i32>} : memref<32x480xf32, #tpu.memory_space<vmem>>, vector<1x16xf32>,
      %get3A_588 = vector.shape_cast %get3A_587 : vector<1x16xf32> to vector<16xf32>
      %mul3A_589 = arith.mulf %get3A_588, %broadcast_in_dim3A_233 : vector<16xf32>
      %add3A_590 = arith.addf %add3A_583, %mul3A_589 : vector<16xf32>
      %max3A_591 = arith.maximumf %max3A_584, %get3A_588 : vector<16xf32>
      %get3A_592 = arith.index_cast %add3A_387 : i32 to index
      %get3A_593 = arith.constant 464 : index
      %get3A_594 = tpu.vector_load %arg6[%get3A_592, %get3A_593] {strides = array<i32>} : memref<32x480xf32, #tpu.memory_space<vmem>>, vector<1x16xf32>,
      %get3A_595 = vector.shape_cast %get3A_594 : vector<1x16xf32> to vector<16xf32>
      %mul3A_596 = arith.mulf %get3A_595, %broadcast_in_dim3A_236 : vector<16xf32>
      %add3A_597 = arith.addf %add3A_590, %mul3A_596 : vector<16xf32>
      %max3A_598 = arith.maximumf %max3A_591, %get3A_595 : vector<16xf32>
      %mul3A_599 = arith.mulf %add3A_191, %max3A_598 : vector<16xf32>
      %add3A_600 = arith.addf %add3A_597, %mul3A_599 : vector<16xf32>
      %swap3A_601 = arith.index_cast %add3A_387 : i32 to index
      %swap3A_602 = arith.constant 16 : index
      %swap3A_603 = tpu.vector_load %arg7[%swap3A_601, %swap3A_602] {strides = array<i32>} : memref<32x32xf32, #tpu.memory_space<vmem>>, vector<1x16xf32>,
      %swap3A_604 = vector.shape_cast %swap3A_603 : vector<1x16xf32> to vector<16xf32>
      %swap3A_605 = vector.shape_cast %add3A_600 : vector<16xf32> to vector<1x16xf32>
      tpu.vector_store %arg7[%swap3A_601, %swap3A_602], %swap3A_605 {strides = array<i32>} : memref<32x32xf32, #tpu.memory_space<vmem>>, vector<1x16xf32>,
    }
    %scan3A_276 = arith.constant 8 : i32
    %add3A_277 = arith.constant 8 : i32
    %add3A_278 = arith.addi %mul3A_2, %add3A_277 : i32
    %dma_start3A_279 = arith.constant 8 : i32
    %dma_start3A_280 = arith.constant 0 : i32
    %dma_start3A_281 = tpu.memref_slice %arg7[%dma_start3A_279, %dma_start3A_280] : memref<32x32xf32, #tpu.memory_space<vmem>> -> memref<8x32xf32, #tpu.memory_space<vmem>>
    %dma_start3A_282 = arith.constant 0 : i32
    %dma_start3A_283 = tpu.memref_slice %arg4[%add3A_278, %dma_start3A_282] : memref<1024x32xf32, #tpu.memory_space<hbm>> -> memref<8x32xf32, #tpu.memory_space<hbm>>
    %dma_start3A_284 = arith.constant 0 : i32
    %dma_start3A_285 = tpu.memref_slice %arg4[%add3A_278, %dma_start3A_284] : memref<1024x32xf32, #tpu.memory_space<hbm>> -> memref<8x32xf32, #tpu.memory_space<hbm>>
    %dma_start3A_286 = arith.constant 8 : i32
    %dma_start3A_287 = arith.constant 0 : i32
    %dma_start3A_288 = tpu.memref_slice %arg7[%dma_start3A_286, %dma_start3A_287] : memref<32x32xf32, #tpu.memory_space<vmem>> -> memref<8x32xf32, #tpu.memory_space<vmem>>
    tpu.enqueue_dma source(%dma_start3A_288 : memref<8x32xf32, #tpu.memory_space<vmem>>) target(%dma_start3A_285 : memref<8x32xf32, #tpu.memory_space<hbm>>) target_semaphore(%arg8 : memref<!tpu.dma_semaphore, #tpu.memory_space<semaphore_mem>>)
    %dma_wait3A_289 = arith.constant 16 : i32
    %dma_wait3A_290 = arith.constant 0 : i32
    %dma_wait3A_291 = tpu.memref_slice %arg6[%dma_wait3A_289, %dma_wait3A_290] : memref<32x480xf32, #tpu.memory_space<vmem>> -> memref<8x480xf32, #tpu.memory_space<vmem>>
    %dma_wait3A_292 = arith.constant 0 : i32
    %dma_wait3A_293 = tpu.memref_slice %arg2[%add3A_27, %dma_wait3A_292] : memref<1024x480xf32, #tpu.memory_space<hbm>> -> memref<8x480xf32, #tpu.memory_space<hbm>>
    %dma_wait3A_294 = arith.constant 16 : i32
    %dma_wait3A_295 = arith.constant 0 : i32
    %dma_wait3A_296 = tpu.memref_slice %arg6[%dma_wait3A_294, %dma_wait3A_295] : memref<32x480xf32, #tpu.memory_space<vmem>> -> memref<8x480xf32, #tpu.memory_space<vmem>>
    %dma_wait3A_297 = arith.constant 0 : i32
    %dma_wait3A_298 = tpu.memref_slice %arg2[%add3A_27, %dma_wait3A_297] : memref<1024x480xf32, #tpu.memory_space<hbm>> -> memref<8x480xf32, #tpu.memory_space<hbm>>
    tpu.wait_dma2 semaphore(%arg11 : memref<!tpu.dma_semaphore, #tpu.memory_space<semaphore_mem>>) src(%dma_wait3A_298 : memref<8x480xf32, #tpu.memory_space<hbm>>) dst(%dma_wait3A_296 : memref<8x480xf32, #tpu.memory_space<vmem>>)
    %scan3A_299 = arith.constant 0 : i32
    %scan3A_300 = arith.constant 8 : i32
    %scan3A_301 = arith.addi %scan3A_299, %scan3A_300 : i32
    %scan3A_302 = arith.constant 1 : i32
    scf.for %scan3A_383 = %scan3A_299 to %scan3A_301 step %scan3A_302  : i32 {
      %mul3A_384 = arith.constant 1 : i32
      %mul3A_385 = arith.muli %scan3A_383, %mul3A_384 : i32
      %add3A_386 = arith.constant 16 : i32
      %add3A_387 = arith.addi %add3A_386, %mul3A_385 : i32
      %get3A_388 = arith.index_cast %add3A_387 : i32 to index
      %get3A_389 = arith.constant 0 : index
      %get3A_390 = tpu.vector_load %arg6[%get3A_388, %get3A_389] {strides = array<i32>} : memref<32x480xf32, #tpu.memory_space<vmem>>, vector<1x16xf32>,
      %get3A_391 = vector.shape_cast %get3A_390 : vector<1x16xf32> to vector<16xf32>
      %mul3A_392 = arith.mulf %get3A_391, %broadcast_in_dim3A_194 : vector<16xf32>
      %get3A_393 = arith.index_cast %add3A_387 : i32 to index
      %get3A_394 = arith.constant 32 : index
      %get3A_395 = tpu.vector_load %arg6[%get3A_393, %get3A_394] {strides = array<i32>} : memref<32x480xf32, #tpu.memory_space<vmem>>, vector<1x16xf32>,
      %get3A_396 = vector.shape_cast %get3A_395 : vector<1x16xf32> to vector<16xf32>
      %mul3A_397 = arith.mulf %get3A_396, %broadcast_in_dim3A_197 : vector<16xf32>
      %add3A_398 = arith.addf %mul3A_392, %mul3A_397 : vector<16xf32>
      %max3A = arith.maximumf %get3A_391, %get3A_396 : vector<16xf32>
      %get3A_399 = arith.index_cast %add3A_387 : i32 to index
      %get3A_400 = arith.constant 64 : index
      %get3A_401 = tpu.vector_load %arg6[%get3A_399, %get3A_400] {strides = array<i32>} : memref<32x480xf32, #tpu.memory_space<vmem>>, vector<1x16xf32>,
      %get3A_402 = vector.shape_cast %get3A_401 : vector<1x16xf32> to vector<16xf32>
      %mul3A_403 = arith.mulf %get3A_402, %broadcast_in_dim3A_200 : vector<16xf32>
      %add3A_404 = arith.addf %add3A_398, %mul3A_403 : vector<16xf32>
      %max3A_405 = arith.maximumf %max3A, %get3A_402 : vector<16xf32>
      %get3A_406 = arith.index_cast %add3A_387 : i32 to index
      %get3A_407 = arith.constant 96 : index
      %get3A_408 = tpu.vector_load %arg6[%get3A_406, %get3A_407] {strides = array<i32>} : memref<32x480xf32, #tpu.memory_space<vmem>>, vector<1x16xf32>,
      %get3A_409 = vector.shape_cast %get3A_408 : vector<1x16xf32> to vector<16xf32>
      %mul3A_410 = arith.mulf %get3A_409, %broadcast_in_dim3A_203 : vector<16xf32>
      %add3A_411 = arith.addf %add3A_404, %mul3A_410 : vector<16xf32>
      %max3A_412 = arith.maximumf %max3A_405, %get3A_409 : vector<16xf32>
      %get3A_413 = arith.index_cast %add3A_387 : i32 to index
      %get3A_414 = arith.constant 128 : index
      %get3A_415 = tpu.vector_load %arg6[%get3A_413, %get3A_414] {strides = array<i32>} : memref<32x480xf32, #tpu.memory_space<vmem>>, vector<1x16xf32>,
      %get3A_416 = vector.shape_cast %get3A_415 : vector<1x16xf32> to vector<16xf32>
      %mul3A_417 = arith.mulf %get3A_416, %broadcast_in_dim3A_206 : vector<16xf32>
      %add3A_418 = arith.addf %add3A_411, %mul3A_417 : vector<16xf32>
      %max3A_419 = arith.maximumf %max3A_412, %get3A_416 : vector<16xf32>
      %get3A_420 = arith.index_cast %add3A_387 : i32 to index
      %get3A_421 = arith.constant 160 : index
      %get3A_422 = tpu.vector_load %arg6[%get3A_420, %get3A_421] {strides = array<i32>} : memref<32x480xf32, #tpu.memory_space<vmem>>, vector<1x16xf32>,
      %get3A_423 = vector.shape_cast %get3A_422 : vector<1x16xf32> to vector<16xf32>
      %mul3A_424 = arith.mulf %get3A_423, %broadcast_in_dim3A_209 : vector<16xf32>
      %add3A_425 = arith.addf %add3A_418, %mul3A_424 : vector<16xf32>
      %max3A_426 = arith.maximumf %max3A_419, %get3A_423 : vector<16xf32>
      %get3A_427 = arith.index_cast %add3A_387 : i32 to index
      %get3A_428 = arith.constant 192 : index
      %get3A_429 = tpu.vector_load %arg6[%get3A_427, %get3A_428] {strides = array<i32>} : memref<32x480xf32, #tpu.memory_space<vmem>>, vector<1x16xf32>,
      %get3A_430 = vector.shape_cast %get3A_429 : vector<1x16xf32> to vector<16xf32>
      %mul3A_431 = arith.mulf %get3A_430, %broadcast_in_dim3A_212 : vector<16xf32>
      %add3A_432 = arith.addf %add3A_425, %mul3A_431 : vector<16xf32>
      %max3A_433 = arith.maximumf %max3A_426, %get3A_430 : vector<16xf32>
      %get3A_434 = arith.index_cast %add3A_387 : i32 to index
      %get3A_435 = arith.constant 224 : index
      %get3A_436 = tpu.vector_load %arg6[%get3A_434, %get3A_435] {strides = array<i32>} : memref<32x480xf32, #tpu.memory_space<vmem>>, vector<1x16xf32>,
      %get3A_437 = vector.shape_cast %get3A_436 : vector<1x16xf32> to vector<16xf32>
      %mul3A_438 = arith.mulf %get3A_437, %broadcast_in_dim3A_215 : vector<16xf32>
      %add3A_439 = arith.addf %add3A_432, %mul3A_438 : vector<16xf32>
      %max3A_440 = arith.maximumf %max3A_433, %get3A_437 : vector<16xf32>
      %get3A_441 = arith.index_cast %add3A_387 : i32 to index
      %get3A_442 = arith.constant 256 : index
      %get3A_443 = tpu.vector_load %arg6[%get3A_441, %get3A_442] {strides = array<i32>} : memref<32x480xf32, #tpu.memory_space<vmem>>, vector<1x16xf32>,
      %get3A_444 = vector.shape_cast %get3A_443 : vector<1x16xf32> to vector<16xf32>
      %mul3A_445 = arith.mulf %get3A_444, %broadcast_in_dim3A_218 : vector<16xf32>
      %add3A_446 = arith.addf %add3A_439, %mul3A_445 : vector<16xf32>
      %max3A_447 = arith.maximumf %max3A_440, %get3A_444 : vector<16xf32>
      %get3A_448 = arith.index_cast %add3A_387 : i32 to index
      %get3A_449 = arith.constant 288 : index
      %get3A_450 = tpu.vector_load %arg6[%get3A_448, %get3A_449] {strides = array<i32>} : memref<32x480xf32, #tpu.memory_space<vmem>>, vector<1x16xf32>,
      %get3A_451 = vector.shape_cast %get3A_450 : vector<1x16xf32> to vector<16xf32>
      %mul3A_452 = arith.mulf %get3A_451, %broadcast_in_dim3A_221 : vector<16xf32>
      %add3A_453 = arith.addf %add3A_446, %mul3A_452 : vector<16xf32>
      %max3A_454 = arith.maximumf %max3A_447, %get3A_451 : vector<16xf32>
      %get3A_455 = arith.index_cast %add3A_387 : i32 to index
      %get3A_456 = arith.constant 320 : index
      %get3A_457 = tpu.vector_load %arg6[%get3A_455, %get3A_456] {strides = array<i32>} : memref<32x480xf32, #tpu.memory_space<vmem>>, vector<1x16xf32>,
      %get3A_458 = vector.shape_cast %get3A_457 : vector<1x16xf32> to vector<16xf32>
      %mul3A_459 = arith.mulf %get3A_458, %broadcast_in_dim3A_224 : vector<16xf32>
      %add3A_460 = arith.addf %add3A_453, %mul3A_459 : vector<16xf32>
      %max3A_461 = arith.maximumf %max3A_454, %get3A_458 : vector<16xf32>
      %get3A_462 = arith.index_cast %add3A_387 : i32 to index
      %get3A_463 = arith.constant 352 : index
      %get3A_464 = tpu.vector_load %arg6[%get3A_462, %get3A_463] {strides = array<i32>} : memref<32x480xf32, #tpu.memory_space<vmem>>, vector<1x16xf32>,
      %get3A_465 = vector.shape_cast %get3A_464 : vector<1x16xf32> to vector<16xf32>
      %mul3A_466 = arith.mulf %get3A_465, %broadcast_in_dim3A_227 : vector<16xf32>
      %add3A_467 = arith.addf %add3A_460, %mul3A_466 : vector<16xf32>
      %max3A_468 = arith.maximumf %max3A_461, %get3A_465 : vector<16xf32>
      %get3A_469 = arith.index_cast %add3A_387 : i32 to index
      %get3A_470 = arith.constant 384 : index
      %get3A_471 = tpu.vector_load %arg6[%get3A_469, %get3A_470] {strides = array<i32>} : memref<32x480xf32, #tpu.memory_space<vmem>>, vector<1x16xf32>,
      %get3A_472 = vector.shape_cast %get3A_471 : vector<1x16xf32> to vector<16xf32>
      %mul3A_473 = arith.mulf %get3A_472, %broadcast_in_dim3A_230 : vector<16xf32>
      %add3A_474 = arith.addf %add3A_467, %mul3A_473 : vector<16xf32>
      %max3A_475 = arith.maximumf %max3A_468, %get3A_472 : vector<16xf32>
      %get3A_476 = arith.index_cast %add3A_387 : i32 to index
      %get3A_477 = arith.constant 416 : index
      %get3A_478 = tpu.vector_load %arg6[%get3A_476, %get3A_477] {strides = array<i32>} : memref<32x480xf32, #tpu.memory_space<vmem>>, vector<1x16xf32>,
      %get3A_479 = vector.shape_cast %get3A_478 : vector<1x16xf32> to vector<16xf32>
      %mul3A_480 = arith.mulf %get3A_479, %broadcast_in_dim3A_233 : vector<16xf32>
      %add3A_481 = arith.addf %add3A_474, %mul3A_480 : vector<16xf32>
      %max3A_482 = arith.maximumf %max3A_475, %get3A_479 : vector<16xf32>
      %get3A_483 = arith.index_cast %add3A_387 : i32 to index
      %get3A_484 = arith.constant 448 : index
      %get3A_485 = tpu.vector_load %arg6[%get3A_483, %get3A_484] {strides = array<i32>} : memref<32x480xf32, #tpu.memory_space<vmem>>, vector<1x16xf32>,
      %get3A_486 = vector.shape_cast %get3A_485 : vector<1x16xf32> to vector<16xf32>
      %mul3A_487 = arith.mulf %get3A_486, %broadcast_in_dim3A_236 : vector<16xf32>
      %add3A_488 = arith.addf %add3A_481, %mul3A_487 : vector<16xf32>
      %max3A_489 = arith.maximumf %max3A_482, %get3A_486 : vector<16xf32>
      %mul3A_490 = arith.mulf %add3A_191, %max3A_489 : vector<16xf32>
      %add3A_491 = arith.addf %add3A_488, %mul3A_490 : vector<16xf32>
      %swap3A = arith.index_cast %add3A_387 : i32 to index
      %swap3A_492 = arith.constant 0 : index
      %swap3A_493 = tpu.vector_load %arg7[%swap3A, %swap3A_492] {strides = array<i32>} : memref<32x32xf32, #tpu.memory_space<vmem>>, vector<1x16xf32>,
      %swap3A_494 = vector.shape_cast %swap3A_493 : vector<1x16xf32> to vector<16xf32>
      %swap3A_495 = vector.shape_cast %add3A_491 : vector<16xf32> to vector<1x16xf32>
      tpu.vector_store %arg7[%swap3A, %swap3A_492], %swap3A_495 {strides = array<i32>} : memref<32x32xf32, #tpu.memory_space<vmem>>, vector<1x16xf32>,
      %get3A_496 = arith.index_cast %add3A_387 : i32 to index
      %get3A_497 = arith.constant 16 : index
      %get3A_498 = tpu.vector_load %arg6[%get3A_496, %get3A_497] {strides = array<i32>} : memref<32x480xf32, #tpu.memory_space<vmem>>, vector<1x16xf32>,
      %get3A_499 = vector.shape_cast %get3A_498 : vector<1x16xf32> to vector<16xf32>
      %mul3A_500 = arith.mulf %get3A_499, %broadcast_in_dim3A_194 : vector<16xf32>
      %get3A_501 = arith.index_cast %add3A_387 : i32 to index
      %get3A_502 = arith.constant 48 : index
      %get3A_503 = tpu.vector_load %arg6[%get3A_501, %get3A_502] {strides = array<i32>} : memref<32x480xf32, #tpu.memory_space<vmem>>, vector<1x16xf32>,
      %get3A_504 = vector.shape_cast %get3A_503 : vector<1x16xf32> to vector<16xf32>
      %mul3A_505 = arith.mulf %get3A_504, %broadcast_in_dim3A_197 : vector<16xf32>
      %add3A_506 = arith.addf %mul3A_500, %mul3A_505 : vector<16xf32>
      %max3A_507 = arith.maximumf %get3A_499, %get3A_504 : vector<16xf32>
      %get3A_508 = arith.index_cast %add3A_387 : i32 to index
      %get3A_509 = arith.constant 80 : index
      %get3A_510 = tpu.vector_load %arg6[%get3A_508, %get3A_509] {strides = array<i32>} : memref<32x480xf32, #tpu.memory_space<vmem>>, vector<1x16xf32>,
      %get3A_511 = vector.shape_cast %get3A_510 : vector<1x16xf32> to vector<16xf32>
      %mul3A_512 = arith.mulf %get3A_511, %broadcast_in_dim3A_200 : vector<16xf32>
      %add3A_513 = arith.addf %add3A_506, %mul3A_512 : vector<16xf32>
      %max3A_514 = arith.maximumf %max3A_507, %get3A_511 : vector<16xf32>
      %get3A_515 = arith.index_cast %add3A_387 : i32 to index
      %get3A_516 = arith.constant 112 : index
      %get3A_517 = tpu.vector_load %arg6[%get3A_515, %get3A_516] {strides = array<i32>} : memref<32x480xf32, #tpu.memory_space<vmem>>, vector<1x16xf32>,
      %get3A_518 = vector.shape_cast %get3A_517 : vector<1x16xf32> to vector<16xf32>
      %mul3A_519 = arith.mulf %get3A_518, %broadcast_in_dim3A_203 : vector<16xf32>
      %add3A_520 = arith.addf %add3A_513, %mul3A_519 : vector<16xf32>
      %max3A_521 = arith.maximumf %max3A_514, %get3A_518 : vector<16xf32>
      %get3A_522 = arith.index_cast %add3A_387 : i32 to index
      %get3A_523 = arith.constant 144 : index
      %get3A_524 = tpu.vector_load %arg6[%get3A_522, %get3A_523] {strides = array<i32>} : memref<32x480xf32, #tpu.memory_space<vmem>>, vector<1x16xf32>,
      %get3A_525 = vector.shape_cast %get3A_524 : vector<1x16xf32> to vector<16xf32>
      %mul3A_526 = arith.mulf %get3A_525, %broadcast_in_dim3A_206 : vector<16xf32>
      %add3A_527 = arith.addf %add3A_520, %mul3A_526 : vector<16xf32>
      %max3A_528 = arith.maximumf %max3A_521, %get3A_525 : vector<16xf32>
      %get3A_529 = arith.index_cast %add3A_387 : i32 to index
      %get3A_530 = arith.constant 176 : index
      %get3A_531 = tpu.vector_load %arg6[%get3A_529, %get3A_530] {strides = array<i32>} : memref<32x480xf32, #tpu.memory_space<vmem>>, vector<1x16xf32>,
      %get3A_532 = vector.shape_cast %get3A_531 : vector<1x16xf32> to vector<16xf32>
      %mul3A_533 = arith.mulf %get3A_532, %broadcast_in_dim3A_209 : vector<16xf32>
      %add3A_534 = arith.addf %add3A_527, %mul3A_533 : vector<16xf32>
      %max3A_535 = arith.maximumf %max3A_528, %get3A_532 : vector<16xf32>
      %get3A_536 = arith.index_cast %add3A_387 : i32 to index
      %get3A_537 = arith.constant 208 : index
      %get3A_538 = tpu.vector_load %arg6[%get3A_536, %get3A_537] {strides = array<i32>} : memref<32x480xf32, #tpu.memory_space<vmem>>, vector<1x16xf32>,
      %get3A_539 = vector.shape_cast %get3A_538 : vector<1x16xf32> to vector<16xf32>
      %mul3A_540 = arith.mulf %get3A_539, %broadcast_in_dim3A_212 : vector<16xf32>
      %add3A_541 = arith.addf %add3A_534, %mul3A_540 : vector<16xf32>
      %max3A_542 = arith.maximumf %max3A_535, %get3A_539 : vector<16xf32>
      %get3A_543 = arith.index_cast %add3A_387 : i32 to index
      %get3A_544 = arith.constant 240 : index
      %get3A_545 = tpu.vector_load %arg6[%get3A_543, %get3A_544] {strides = array<i32>} : memref<32x480xf32, #tpu.memory_space<vmem>>, vector<1x16xf32>,
      %get3A_546 = vector.shape_cast %get3A_545 : vector<1x16xf32> to vector<16xf32>
      %mul3A_547 = arith.mulf %get3A_546, %broadcast_in_dim3A_215 : vector<16xf32>
      %add3A_548 = arith.addf %add3A_541, %mul3A_547 : vector<16xf32>
      %max3A_549 = arith.maximumf %max3A_542, %get3A_546 : vector<16xf32>
      %get3A_550 = arith.index_cast %add3A_387 : i32 to index
      %get3A_551 = arith.constant 272 : index
      %get3A_552 = tpu.vector_load %arg6[%get3A_550, %get3A_551] {strides = array<i32>} : memref<32x480xf32, #tpu.memory_space<vmem>>, vector<1x16xf32>,
      %get3A_553 = vector.shape_cast %get3A_552 : vector<1x16xf32> to vector<16xf32>
      %mul3A_554 = arith.mulf %get3A_553, %broadcast_in_dim3A_218 : vector<16xf32>
      %add3A_555 = arith.addf %add3A_548, %mul3A_554 : vector<16xf32>
      %max3A_556 = arith.maximumf %max3A_549, %get3A_553 : vector<16xf32>
      %get3A_557 = arith.index_cast %add3A_387 : i32 to index
      %get3A_558 = arith.constant 304 : index
      %get3A_559 = tpu.vector_load %arg6[%get3A_557, %get3A_558] {strides = array<i32>} : memref<32x480xf32, #tpu.memory_space<vmem>>, vector<1x16xf32>,
      %get3A_560 = vector.shape_cast %get3A_559 : vector<1x16xf32> to vector<16xf32>
      %mul3A_561 = arith.mulf %get3A_560, %broadcast_in_dim3A_221 : vector<16xf32>
      %add3A_562 = arith.addf %add3A_555, %mul3A_561 : vector<16xf32>
      %max3A_563 = arith.maximumf %max3A_556, %get3A_560 : vector<16xf32>
      %get3A_564 = arith.index_cast %add3A_387 : i32 to index
      %get3A_565 = arith.constant 336 : index
      %get3A_566 = tpu.vector_load %arg6[%get3A_564, %get3A_565] {strides = array<i32>} : memref<32x480xf32, #tpu.memory_space<vmem>>, vector<1x16xf32>,
      %get3A_567 = vector.shape_cast %get3A_566 : vector<1x16xf32> to vector<16xf32>
      %mul3A_568 = arith.mulf %get3A_567, %broadcast_in_dim3A_224 : vector<16xf32>
      %add3A_569 = arith.addf %add3A_562, %mul3A_568 : vector<16xf32>
      %max3A_570 = arith.maximumf %max3A_563, %get3A_567 : vector<16xf32>
      %get3A_571 = arith.index_cast %add3A_387 : i32 to index
      %get3A_572 = arith.constant 368 : index
      %get3A_573 = tpu.vector_load %arg6[%get3A_571, %get3A_572] {strides = array<i32>} : memref<32x480xf32, #tpu.memory_space<vmem>>, vector<1x16xf32>,
      %get3A_574 = vector.shape_cast %get3A_573 : vector<1x16xf32> to vector<16xf32>
      %mul3A_575 = arith.mulf %get3A_574, %broadcast_in_dim3A_227 : vector<16xf32>
      %add3A_576 = arith.addf %add3A_569, %mul3A_575 : vector<16xf32>
      %max3A_577 = arith.maximumf %max3A_570, %get3A_574 : vector<16xf32>
      %get3A_578 = arith.index_cast %add3A_387 : i32 to index
      %get3A_579 = arith.constant 400 : index
      %get3A_580 = tpu.vector_load %arg6[%get3A_578, %get3A_579] {strides = array<i32>} : memref<32x480xf32, #tpu.memory_space<vmem>>, vector<1x16xf32>,
      %get3A_581 = vector.shape_cast %get3A_580 : vector<1x16xf32> to vector<16xf32>
      %mul3A_582 = arith.mulf %get3A_581, %broadcast_in_dim3A_230 : vector<16xf32>
      %add3A_583 = arith.addf %add3A_576, %mul3A_582 : vector<16xf32>
      %max3A_584 = arith.maximumf %max3A_577, %get3A_581 : vector<16xf32>
      %get3A_585 = arith.index_cast %add3A_387 : i32 to index
      %get3A_586 = arith.constant 432 : index
      %get3A_587 = tpu.vector_load %arg6[%get3A_585, %get3A_586] {strides = array<i32>} : memref<32x480xf32, #tpu.memory_space<vmem>>, vector<1x16xf32>,
      %get3A_588 = vector.shape_cast %get3A_587 : vector<1x16xf32> to vector<16xf32>
      %mul3A_589 = arith.mulf %get3A_588, %broadcast_in_dim3A_233 : vector<16xf32>
      %add3A_590 = arith.addf %add3A_583, %mul3A_589 : vector<16xf32>
      %max3A_591 = arith.maximumf %max3A_584, %get3A_588 : vector<16xf32>
      %get3A_592 = arith.index_cast %add3A_387 : i32 to index
      %get3A_593 = arith.constant 464 : index
      %get3A_594 = tpu.vector_load %arg6[%get3A_592, %get3A_593] {strides = array<i32>} : memref<32x480xf32, #tpu.memory_space<vmem>>, vector<1x16xf32>,
      %get3A_595 = vector.shape_cast %get3A_594 : vector<1x16xf32> to vector<16xf32>
      %mul3A_596 = arith.mulf %get3A_595, %broadcast_in_dim3A_236 : vector<16xf32>
      %add3A_597 = arith.addf %add3A_590, %mul3A_596 : vector<16xf32>
      %max3A_598 = arith.maximumf %max3A_591, %get3A_595 : vector<16xf32>
      %mul3A_599 = arith.mulf %add3A_191, %max3A_598 : vector<16xf32>
      %add3A_600 = arith.addf %add3A_597, %mul3A_599 : vector<16xf32>
      %swap3A_601 = arith.index_cast %add3A_387 : i32 to index
      %swap3A_602 = arith.constant 16 : index
      %swap3A_603 = tpu.vector_load %arg7[%swap3A_601, %swap3A_602] {strides = array<i32>} : memref<32x32xf32, #tpu.memory_space<vmem>>, vector<1x16xf32>,
      %swap3A_604 = vector.shape_cast %swap3A_603 : vector<1x16xf32> to vector<16xf32>
      %swap3A_605 = vector.shape_cast %add3A_600 : vector<16xf32> to vector<1x16xf32>
      tpu.vector_store %arg7[%swap3A_601, %swap3A_602], %swap3A_605 {strides = array<i32>} : memref<32x32xf32, #tpu.memory_space<vmem>>, vector<1x16xf32>,
    }
    %scan3A_303 = arith.constant 8 : i32
    %add3A_304 = arith.constant 16 : i32
    %add3A_305 = arith.addi %mul3A_2, %add3A_304 : i32
    %dma_start3A_306 = arith.constant 16 : i32
    %dma_start3A_307 = arith.constant 0 : i32
    %dma_start3A_308 = tpu.memref_slice %arg7[%dma_start3A_306, %dma_start3A_307] : memref<32x32xf32, #tpu.memory_space<vmem>> -> memref<8x32xf32, #tpu.memory_space<vmem>>
    %dma_start3A_309 = arith.constant 0 : i32
    %dma_start3A_310 = tpu.memref_slice %arg4[%add3A_305, %dma_start3A_309] : memref<1024x32xf32, #tpu.memory_space<hbm>> -> memref<8x32xf32, #tpu.memory_space<hbm>>
    %dma_start3A_311 = arith.constant 0 : i32
    %dma_start3A_312 = tpu.memref_slice %arg4[%add3A_305, %dma_start3A_311] : memref<1024x32xf32, #tpu.memory_space<hbm>> -> memref<8x32xf32, #tpu.memory_space<hbm>>
    %dma_start3A_313 = arith.constant 16 : i32
    %dma_start3A_314 = arith.constant 0 : i32
    %dma_start3A_315 = tpu.memref_slice %arg7[%dma_start3A_313, %dma_start3A_314] : memref<32x32xf32, #tpu.memory_space<vmem>> -> memref<8x32xf32, #tpu.memory_space<vmem>>
    tpu.enqueue_dma source(%dma_start3A_315 : memref<8x32xf32, #tpu.memory_space<vmem>>) target(%dma_start3A_312 : memref<8x32xf32, #tpu.memory_space<hbm>>) target_semaphore(%arg8 : memref<!tpu.dma_semaphore, #tpu.memory_space<semaphore_mem>>)
    %dma_wait3A_316 = arith.constant 24 : i32
    %dma_wait3A_317 = arith.constant 0 : i32
    %dma_wait3A_318 = tpu.memref_slice %arg6[%dma_wait3A_316, %dma_wait3A_317] : memref<32x480xf32, #tpu.memory_space<vmem>> -> memref<8x480xf32, #tpu.memory_space<vmem>>
    %dma_wait3A_319 = arith.constant 0 : i32
    %dma_wait3A_320 = tpu.memref_slice %arg2[%add3A_39, %dma_wait3A_319] : memref<1024x480xf32, #tpu.memory_space<hbm>> -> memref<8x480xf32, #tpu.memory_space<hbm>>
    %dma_wait3A_321 = arith.constant 24 : i32
    %dma_wait3A_322 = arith.constant 0 : i32
    %dma_wait3A_323 = tpu.memref_slice %arg6[%dma_wait3A_321, %dma_wait3A_322] : memref<32x480xf32, #tpu.memory_space<vmem>> -> memref<8x480xf32, #tpu.memory_space<vmem>>
    %dma_wait3A_324 = arith.constant 0 : i32
    %dma_wait3A_325 = tpu.memref_slice %arg2[%add3A_39, %dma_wait3A_324] : memref<1024x480xf32, #tpu.memory_space<hbm>> -> memref<8x480xf32, #tpu.memory_space<hbm>>
    tpu.wait_dma2 semaphore(%arg12 : memref<!tpu.dma_semaphore, #tpu.memory_space<semaphore_mem>>) src(%dma_wait3A_325 : memref<8x480xf32, #tpu.memory_space<hbm>>) dst(%dma_wait3A_323 : memref<8x480xf32, #tpu.memory_space<vmem>>)
    %scan3A_326 = arith.constant 0 : i32
    %scan3A_327 = arith.constant 8 : i32
    %scan3A_328 = arith.addi %scan3A_326, %scan3A_327 : i32
    %scan3A_329 = arith.constant 1 : i32
    scf.for %scan3A_383 = %scan3A_326 to %scan3A_328 step %scan3A_329  : i32 {
      %mul3A_384 = arith.constant 1 : i32
      %mul3A_385 = arith.muli %scan3A_383, %mul3A_384 : i32
      %add3A_386 = arith.constant 24 : i32
      %add3A_387 = arith.addi %add3A_386, %mul3A_385 : i32
      %get3A_388 = arith.index_cast %add3A_387 : i32 to index
      %get3A_389 = arith.constant 0 : index
      %get3A_390 = tpu.vector_load %arg6[%get3A_388, %get3A_389] {strides = array<i32>} : memref<32x480xf32, #tpu.memory_space<vmem>>, vector<1x16xf32>,
      %get3A_391 = vector.shape_cast %get3A_390 : vector<1x16xf32> to vector<16xf32>
      %mul3A_392 = arith.mulf %get3A_391, %broadcast_in_dim3A_194 : vector<16xf32>
      %get3A_393 = arith.index_cast %add3A_387 : i32 to index
      %get3A_394 = arith.constant 32 : index
      %get3A_395 = tpu.vector_load %arg6[%get3A_393, %get3A_394] {strides = array<i32>} : memref<32x480xf32, #tpu.memory_space<vmem>>, vector<1x16xf32>,
      %get3A_396 = vector.shape_cast %get3A_395 : vector<1x16xf32> to vector<16xf32>
      %mul3A_397 = arith.mulf %get3A_396, %broadcast_in_dim3A_197 : vector<16xf32>
      %add3A_398 = arith.addf %mul3A_392, %mul3A_397 : vector<16xf32>
      %max3A = arith.maximumf %get3A_391, %get3A_396 : vector<16xf32>
      %get3A_399 = arith.index_cast %add3A_387 : i32 to index
      %get3A_400 = arith.constant 64 : index
      %get3A_401 = tpu.vector_load %arg6[%get3A_399, %get3A_400] {strides = array<i32>} : memref<32x480xf32, #tpu.memory_space<vmem>>, vector<1x16xf32>,
      %get3A_402 = vector.shape_cast %get3A_401 : vector<1x16xf32> to vector<16xf32>
      %mul3A_403 = arith.mulf %get3A_402, %broadcast_in_dim3A_200 : vector<16xf32>
      %add3A_404 = arith.addf %add3A_398, %mul3A_403 : vector<16xf32>
      %max3A_405 = arith.maximumf %max3A, %get3A_402 : vector<16xf32>
      %get3A_406 = arith.index_cast %add3A_387 : i32 to index
      %get3A_407 = arith.constant 96 : index
      %get3A_408 = tpu.vector_load %arg6[%get3A_406, %get3A_407] {strides = array<i32>} : memref<32x480xf32, #tpu.memory_space<vmem>>, vector<1x16xf32>,
      %get3A_409 = vector.shape_cast %get3A_408 : vector<1x16xf32> to vector<16xf32>
      %mul3A_410 = arith.mulf %get3A_409, %broadcast_in_dim3A_203 : vector<16xf32>
      %add3A_411 = arith.addf %add3A_404, %mul3A_410 : vector<16xf32>
      %max3A_412 = arith.maximumf %max3A_405, %get3A_409 : vector<16xf32>
      %get3A_413 = arith.index_cast %add3A_387 : i32 to index
      %get3A_414 = arith.constant 128 : index
      %get3A_415 = tpu.vector_load %arg6[%get3A_413, %get3A_414] {strides = array<i32>} : memref<32x480xf32, #tpu.memory_space<vmem>>, vector<1x16xf32>,
      %get3A_416 = vector.shape_cast %get3A_415 : vector<1x16xf32> to vector<16xf32>
      %mul3A_417 = arith.mulf %get3A_416, %broadcast_in_dim3A_206 : vector<16xf32>
      %add3A_418 = arith.addf %add3A_411, %mul3A_417 : vector<16xf32>
      %max3A_419 = arith.maximumf %max3A_412, %get3A_416 : vector<16xf32>
      %get3A_420 = arith.index_cast %add3A_387 : i32 to index
      %get3A_421 = arith.constant 160 : index
      %get3A_422 = tpu.vector_load %arg6[%get3A_420, %get3A_421] {strides = array<i32>} : memref<32x480xf32, #tpu.memory_space<vmem>>, vector<1x16xf32>,
      %get3A_423 = vector.shape_cast %get3A_422 : vector<1x16xf32> to vector<16xf32>
      %mul3A_424 = arith.mulf %get3A_423, %broadcast_in_dim3A_209 : vector<16xf32>
      %add3A_425 = arith.addf %add3A_418, %mul3A_424 : vector<16xf32>
      %max3A_426 = arith.maximumf %max3A_419, %get3A_423 : vector<16xf32>
      %get3A_427 = arith.index_cast %add3A_387 : i32 to index
      %get3A_428 = arith.constant 192 : index
      %get3A_429 = tpu.vector_load %arg6[%get3A_427, %get3A_428] {strides = array<i32>} : memref<32x480xf32, #tpu.memory_space<vmem>>, vector<1x16xf32>,
      %get3A_430 = vector.shape_cast %get3A_429 : vector<1x16xf32> to vector<16xf32>
      %mul3A_431 = arith.mulf %get3A_430, %broadcast_in_dim3A_212 : vector<16xf32>
      %add3A_432 = arith.addf %add3A_425, %mul3A_431 : vector<16xf32>
      %max3A_433 = arith.maximumf %max3A_426, %get3A_430 : vector<16xf32>
      %get3A_434 = arith.index_cast %add3A_387 : i32 to index
      %get3A_435 = arith.constant 224 : index
      %get3A_436 = tpu.vector_load %arg6[%get3A_434, %get3A_435] {strides = array<i32>} : memref<32x480xf32, #tpu.memory_space<vmem>>, vector<1x16xf32>,
      %get3A_437 = vector.shape_cast %get3A_436 : vector<1x16xf32> to vector<16xf32>
      %mul3A_438 = arith.mulf %get3A_437, %broadcast_in_dim3A_215 : vector<16xf32>
      %add3A_439 = arith.addf %add3A_432, %mul3A_438 : vector<16xf32>
      %max3A_440 = arith.maximumf %max3A_433, %get3A_437 : vector<16xf32>
      %get3A_441 = arith.index_cast %add3A_387 : i32 to index
      %get3A_442 = arith.constant 256 : index
      %get3A_443 = tpu.vector_load %arg6[%get3A_441, %get3A_442] {strides = array<i32>} : memref<32x480xf32, #tpu.memory_space<vmem>>, vector<1x16xf32>,
      %get3A_444 = vector.shape_cast %get3A_443 : vector<1x16xf32> to vector<16xf32>
      %mul3A_445 = arith.mulf %get3A_444, %broadcast_in_dim3A_218 : vector<16xf32>
      %add3A_446 = arith.addf %add3A_439, %mul3A_445 : vector<16xf32>
      %max3A_447 = arith.maximumf %max3A_440, %get3A_444 : vector<16xf32>
      %get3A_448 = arith.index_cast %add3A_387 : i32 to index
      %get3A_449 = arith.constant 288 : index
      %get3A_450 = tpu.vector_load %arg6[%get3A_448, %get3A_449] {strides = array<i32>} : memref<32x480xf32, #tpu.memory_space<vmem>>, vector<1x16xf32>,
      %get3A_451 = vector.shape_cast %get3A_450 : vector<1x16xf32> to vector<16xf32>
      %mul3A_452 = arith.mulf %get3A_451, %broadcast_in_dim3A_221 : vector<16xf32>
      %add3A_453 = arith.addf %add3A_446, %mul3A_452 : vector<16xf32>
      %max3A_454 = arith.maximumf %max3A_447, %get3A_451 : vector<16xf32>
      %get3A_455 = arith.index_cast %add3A_387 : i32 to index
      %get3A_456 = arith.constant 320 : index
      %get3A_457 = tpu.vector_load %arg6[%get3A_455, %get3A_456] {strides = array<i32>} : memref<32x480xf32, #tpu.memory_space<vmem>>, vector<1x16xf32>,
      %get3A_458 = vector.shape_cast %get3A_457 : vector<1x16xf32> to vector<16xf32>
      %mul3A_459 = arith.mulf %get3A_458, %broadcast_in_dim3A_224 : vector<16xf32>
      %add3A_460 = arith.addf %add3A_453, %mul3A_459 : vector<16xf32>
      %max3A_461 = arith.maximumf %max3A_454, %get3A_458 : vector<16xf32>
      %get3A_462 = arith.index_cast %add3A_387 : i32 to index
      %get3A_463 = arith.constant 352 : index
      %get3A_464 = tpu.vector_load %arg6[%get3A_462, %get3A_463] {strides = array<i32>} : memref<32x480xf32, #tpu.memory_space<vmem>>, vector<1x16xf32>,
      %get3A_465 = vector.shape_cast %get3A_464 : vector<1x16xf32> to vector<16xf32>
      %mul3A_466 = arith.mulf %get3A_465, %broadcast_in_dim3A_227 : vector<16xf32>
      %add3A_467 = arith.addf %add3A_460, %mul3A_466 : vector<16xf32>
      %max3A_468 = arith.maximumf %max3A_461, %get3A_465 : vector<16xf32>
      %get3A_469 = arith.index_cast %add3A_387 : i32 to index
      %get3A_470 = arith.constant 384 : index
      %get3A_471 = tpu.vector_load %arg6[%get3A_469, %get3A_470] {strides = array<i32>} : memref<32x480xf32, #tpu.memory_space<vmem>>, vector<1x16xf32>,
      %get3A_472 = vector.shape_cast %get3A_471 : vector<1x16xf32> to vector<16xf32>
      %mul3A_473 = arith.mulf %get3A_472, %broadcast_in_dim3A_230 : vector<16xf32>
      %add3A_474 = arith.addf %add3A_467, %mul3A_473 : vector<16xf32>
      %max3A_475 = arith.maximumf %max3A_468, %get3A_472 : vector<16xf32>
      %get3A_476 = arith.index_cast %add3A_387 : i32 to index
      %get3A_477 = arith.constant 416 : index
      %get3A_478 = tpu.vector_load %arg6[%get3A_476, %get3A_477] {strides = array<i32>} : memref<32x480xf32, #tpu.memory_space<vmem>>, vector<1x16xf32>,
      %get3A_479 = vector.shape_cast %get3A_478 : vector<1x16xf32> to vector<16xf32>
      %mul3A_480 = arith.mulf %get3A_479, %broadcast_in_dim3A_233 : vector<16xf32>
      %add3A_481 = arith.addf %add3A_474, %mul3A_480 : vector<16xf32>
      %max3A_482 = arith.maximumf %max3A_475, %get3A_479 : vector<16xf32>
      %get3A_483 = arith.index_cast %add3A_387 : i32 to index
      %get3A_484 = arith.constant 448 : index
      %get3A_485 = tpu.vector_load %arg6[%get3A_483, %get3A_484] {strides = array<i32>} : memref<32x480xf32, #tpu.memory_space<vmem>>, vector<1x16xf32>,
      %get3A_486 = vector.shape_cast %get3A_485 : vector<1x16xf32> to vector<16xf32>
      %mul3A_487 = arith.mulf %get3A_486, %broadcast_in_dim3A_236 : vector<16xf32>
      %add3A_488 = arith.addf %add3A_481, %mul3A_487 : vector<16xf32>
      %max3A_489 = arith.maximumf %max3A_482, %get3A_486 : vector<16xf32>
      %mul3A_490 = arith.mulf %add3A_191, %max3A_489 : vector<16xf32>
      %add3A_491 = arith.addf %add3A_488, %mul3A_490 : vector<16xf32>
      %swap3A = arith.index_cast %add3A_387 : i32 to index
      %swap3A_492 = arith.constant 0 : index
      %swap3A_493 = tpu.vector_load %arg7[%swap3A, %swap3A_492] {strides = array<i32>} : memref<32x32xf32, #tpu.memory_space<vmem>>, vector<1x16xf32>,
      %swap3A_494 = vector.shape_cast %swap3A_493 : vector<1x16xf32> to vector<16xf32>
      %swap3A_495 = vector.shape_cast %add3A_491 : vector<16xf32> to vector<1x16xf32>
      tpu.vector_store %arg7[%swap3A, %swap3A_492], %swap3A_495 {strides = array<i32>} : memref<32x32xf32, #tpu.memory_space<vmem>>, vector<1x16xf32>,
      %get3A_496 = arith.index_cast %add3A_387 : i32 to index
      %get3A_497 = arith.constant 16 : index
      %get3A_498 = tpu.vector_load %arg6[%get3A_496, %get3A_497] {strides = array<i32>} : memref<32x480xf32, #tpu.memory_space<vmem>>, vector<1x16xf32>,
      %get3A_499 = vector.shape_cast %get3A_498 : vector<1x16xf32> to vector<16xf32>
      %mul3A_500 = arith.mulf %get3A_499, %broadcast_in_dim3A_194 : vector<16xf32>
      %get3A_501 = arith.index_cast %add3A_387 : i32 to index
      %get3A_502 = arith.constant 48 : index
      %get3A_503 = tpu.vector_load %arg6[%get3A_501, %get3A_502] {strides = array<i32>} : memref<32x480xf32, #tpu.memory_space<vmem>>, vector<1x16xf32>,
      %get3A_504 = vector.shape_cast %get3A_503 : vector<1x16xf32> to vector<16xf32>
      %mul3A_505 = arith.mulf %get3A_504, %broadcast_in_dim3A_197 : vector<16xf32>
      %add3A_506 = arith.addf %mul3A_500, %mul3A_505 : vector<16xf32>
      %max3A_507 = arith.maximumf %get3A_499, %get3A_504 : vector<16xf32>
      %get3A_508 = arith.index_cast %add3A_387 : i32 to index
      %get3A_509 = arith.constant 80 : index
      %get3A_510 = tpu.vector_load %arg6[%get3A_508, %get3A_509] {strides = array<i32>} : memref<32x480xf32, #tpu.memory_space<vmem>>, vector<1x16xf32>,
      %get3A_511 = vector.shape_cast %get3A_510 : vector<1x16xf32> to vector<16xf32>
      %mul3A_512 = arith.mulf %get3A_511, %broadcast_in_dim3A_200 : vector<16xf32>
      %add3A_513 = arith.addf %add3A_506, %mul3A_512 : vector<16xf32>
      %max3A_514 = arith.maximumf %max3A_507, %get3A_511 : vector<16xf32>
      %get3A_515 = arith.index_cast %add3A_387 : i32 to index
      %get3A_516 = arith.constant 112 : index
      %get3A_517 = tpu.vector_load %arg6[%get3A_515, %get3A_516] {strides = array<i32>} : memref<32x480xf32, #tpu.memory_space<vmem>>, vector<1x16xf32>,
      %get3A_518 = vector.shape_cast %get3A_517 : vector<1x16xf32> to vector<16xf32>
      %mul3A_519 = arith.mulf %get3A_518, %broadcast_in_dim3A_203 : vector<16xf32>
      %add3A_520 = arith.addf %add3A_513, %mul3A_519 : vector<16xf32>
      %max3A_521 = arith.maximumf %max3A_514, %get3A_518 : vector<16xf32>
      %get3A_522 = arith.index_cast %add3A_387 : i32 to index
      %get3A_523 = arith.constant 144 : index
      %get3A_524 = tpu.vector_load %arg6[%get3A_522, %get3A_523] {strides = array<i32>} : memref<32x480xf32, #tpu.memory_space<vmem>>, vector<1x16xf32>,
      %get3A_525 = vector.shape_cast %get3A_524 : vector<1x16xf32> to vector<16xf32>
      %mul3A_526 = arith.mulf %get3A_525, %broadcast_in_dim3A_206 : vector<16xf32>
      %add3A_527 = arith.addf %add3A_520, %mul3A_526 : vector<16xf32>
      %max3A_528 = arith.maximumf %max3A_521, %get3A_525 : vector<16xf32>
      %get3A_529 = arith.index_cast %add3A_387 : i32 to index
      %get3A_530 = arith.constant 176 : index
      %get3A_531 = tpu.vector_load %arg6[%get3A_529, %get3A_530] {strides = array<i32>} : memref<32x480xf32, #tpu.memory_space<vmem>>, vector<1x16xf32>,
      %get3A_532 = vector.shape_cast %get3A_531 : vector<1x16xf32> to vector<16xf32>
      %mul3A_533 = arith.mulf %get3A_532, %broadcast_in_dim3A_209 : vector<16xf32>
      %add3A_534 = arith.addf %add3A_527, %mul3A_533 : vector<16xf32>
      %max3A_535 = arith.maximumf %max3A_528, %get3A_532 : vector<16xf32>
      %get3A_536 = arith.index_cast %add3A_387 : i32 to index
      %get3A_537 = arith.constant 208 : index
      %get3A_538 = tpu.vector_load %arg6[%get3A_536, %get3A_537] {strides = array<i32>} : memref<32x480xf32, #tpu.memory_space<vmem>>, vector<1x16xf32>,
      %get3A_539 = vector.shape_cast %get3A_538 : vector<1x16xf32> to vector<16xf32>
      %mul3A_540 = arith.mulf %get3A_539, %broadcast_in_dim3A_212 : vector<16xf32>
      %add3A_541 = arith.addf %add3A_534, %mul3A_540 : vector<16xf32>
      %max3A_542 = arith.maximumf %max3A_535, %get3A_539 : vector<16xf32>
      %get3A_543 = arith.index_cast %add3A_387 : i32 to index
      %get3A_544 = arith.constant 240 : index
      %get3A_545 = tpu.vector_load %arg6[%get3A_543, %get3A_544] {strides = array<i32>} : memref<32x480xf32, #tpu.memory_space<vmem>>, vector<1x16xf32>,
      %get3A_546 = vector.shape_cast %get3A_545 : vector<1x16xf32> to vector<16xf32>
      %mul3A_547 = arith.mulf %get3A_546, %broadcast_in_dim3A_215 : vector<16xf32>
      %add3A_548 = arith.addf %add3A_541, %mul3A_547 : vector<16xf32>
      %max3A_549 = arith.maximumf %max3A_542, %get3A_546 : vector<16xf32>
      %get3A_550 = arith.index_cast %add3A_387 : i32 to index
      %get3A_551 = arith.constant 272 : index
      %get3A_552 = tpu.vector_load %arg6[%get3A_550, %get3A_551] {strides = array<i32>} : memref<32x480xf32, #tpu.memory_space<vmem>>, vector<1x16xf32>,
      %get3A_553 = vector.shape_cast %get3A_552 : vector<1x16xf32> to vector<16xf32>
      %mul3A_554 = arith.mulf %get3A_553, %broadcast_in_dim3A_218 : vector<16xf32>
      %add3A_555 = arith.addf %add3A_548, %mul3A_554 : vector<16xf32>
      %max3A_556 = arith.maximumf %max3A_549, %get3A_553 : vector<16xf32>
      %get3A_557 = arith.index_cast %add3A_387 : i32 to index
      %get3A_558 = arith.constant 304 : index
      %get3A_559 = tpu.vector_load %arg6[%get3A_557, %get3A_558] {strides = array<i32>} : memref<32x480xf32, #tpu.memory_space<vmem>>, vector<1x16xf32>,
      %get3A_560 = vector.shape_cast %get3A_559 : vector<1x16xf32> to vector<16xf32>
      %mul3A_561 = arith.mulf %get3A_560, %broadcast_in_dim3A_221 : vector<16xf32>
      %add3A_562 = arith.addf %add3A_555, %mul3A_561 : vector<16xf32>
      %max3A_563 = arith.maximumf %max3A_556, %get3A_560 : vector<16xf32>
      %get3A_564 = arith.index_cast %add3A_387 : i32 to index
      %get3A_565 = arith.constant 336 : index
      %get3A_566 = tpu.vector_load %arg6[%get3A_564, %get3A_565] {strides = array<i32>} : memref<32x480xf32, #tpu.memory_space<vmem>>, vector<1x16xf32>,
      %get3A_567 = vector.shape_cast %get3A_566 : vector<1x16xf32> to vector<16xf32>
      %mul3A_568 = arith.mulf %get3A_567, %broadcast_in_dim3A_224 : vector<16xf32>
      %add3A_569 = arith.addf %add3A_562, %mul3A_568 : vector<16xf32>
      %max3A_570 = arith.maximumf %max3A_563, %get3A_567 : vector<16xf32>
      %get3A_571 = arith.index_cast %add3A_387 : i32 to index
      %get3A_572 = arith.constant 368 : index
      %get3A_573 = tpu.vector_load %arg6[%get3A_571, %get3A_572] {strides = array<i32>} : memref<32x480xf32, #tpu.memory_space<vmem>>, vector<1x16xf32>,
      %get3A_574 = vector.shape_cast %get3A_573 : vector<1x16xf32> to vector<16xf32>
      %mul3A_575 = arith.mulf %get3A_574, %broadcast_in_dim3A_227 : vector<16xf32>
      %add3A_576 = arith.addf %add3A_569, %mul3A_575 : vector<16xf32>
      %max3A_577 = arith.maximumf %max3A_570, %get3A_574 : vector<16xf32>
      %get3A_578 = arith.index_cast %add3A_387 : i32 to index
      %get3A_579 = arith.constant 400 : index
      %get3A_580 = tpu.vector_load %arg6[%get3A_578, %get3A_579] {strides = array<i32>} : memref<32x480xf32, #tpu.memory_space<vmem>>, vector<1x16xf32>,
      %get3A_581 = vector.shape_cast %get3A_580 : vector<1x16xf32> to vector<16xf32>
      %mul3A_582 = arith.mulf %get3A_581, %broadcast_in_dim3A_230 : vector<16xf32>
      %add3A_583 = arith.addf %add3A_576, %mul3A_582 : vector<16xf32>
      %max3A_584 = arith.maximumf %max3A_577, %get3A_581 : vector<16xf32>
      %get3A_585 = arith.index_cast %add3A_387 : i32 to index
      %get3A_586 = arith.constant 432 : index
      %get3A_587 = tpu.vector_load %arg6[%get3A_585, %get3A_586] {strides = array<i32>} : memref<32x480xf32, #tpu.memory_space<vmem>>, vector<1x16xf32>,
      %get3A_588 = vector.shape_cast %get3A_587 : vector<1x16xf32> to vector<16xf32>
      %mul3A_589 = arith.mulf %get3A_588, %broadcast_in_dim3A_233 : vector<16xf32>
      %add3A_590 = arith.addf %add3A_583, %mul3A_589 : vector<16xf32>
      %max3A_591 = arith.maximumf %max3A_584, %get3A_588 : vector<16xf32>
      %get3A_592 = arith.index_cast %add3A_387 : i32 to index
      %get3A_593 = arith.constant 464 : index
      %get3A_594 = tpu.vector_load %arg6[%get3A_592, %get3A_593] {strides = array<i32>} : memref<32x480xf32, #tpu.memory_space<vmem>>, vector<1x16xf32>,
      %get3A_595 = vector.shape_cast %get3A_594 : vector<1x16xf32> to vector<16xf32>
      %mul3A_596 = arith.mulf %get3A_595, %broadcast_in_dim3A_236 : vector<16xf32>
      %add3A_597 = arith.addf %add3A_590, %mul3A_596 : vector<16xf32>
      %max3A_598 = arith.maximumf %max3A_591, %get3A_595 : vector<16xf32>
      %mul3A_599 = arith.mulf %add3A_191, %max3A_598 : vector<16xf32>
      %add3A_600 = arith.addf %add3A_597, %mul3A_599 : vector<16xf32>
      %swap3A_601 = arith.index_cast %add3A_387 : i32 to index
      %swap3A_602 = arith.constant 16 : index
      %swap3A_603 = tpu.vector_load %arg7[%swap3A_601, %swap3A_602] {strides = array<i32>} : memref<32x32xf32, #tpu.memory_space<vmem>>, vector<1x16xf32>,
      %swap3A_604 = vector.shape_cast %swap3A_603 : vector<1x16xf32> to vector<16xf32>
      %swap3A_605 = vector.shape_cast %add3A_600 : vector<16xf32> to vector<1x16xf32>
      tpu.vector_store %arg7[%swap3A_601, %swap3A_602], %swap3A_605 {strides = array<i32>} : memref<32x32xf32, #tpu.memory_space<vmem>>, vector<1x16xf32>,
    }
    %scan3A_330 = arith.constant 8 : i32
    %add3A_331 = arith.constant 24 : i32
    %add3A_332 = arith.addi %mul3A_2, %add3A_331 : i32
    %dma_start3A_333 = arith.constant 24 : i32
    %dma_start3A_334 = arith.constant 0 : i32
    %dma_start3A_335 = tpu.memref_slice %arg7[%dma_start3A_333, %dma_start3A_334] : memref<32x32xf32, #tpu.memory_space<vmem>> -> memref<8x32xf32, #tpu.memory_space<vmem>>
    %dma_start3A_336 = arith.constant 0 : i32
    %dma_start3A_337 = tpu.memref_slice %arg4[%add3A_332, %dma_start3A_336] : memref<1024x32xf32, #tpu.memory_space<hbm>> -> memref<8x32xf32, #tpu.memory_space<hbm>>
    %dma_start3A_338 = arith.constant 0 : i32
    %dma_start3A_339 = tpu.memref_slice %arg4[%add3A_332, %dma_start3A_338] : memref<1024x32xf32, #tpu.memory_space<hbm>> -> memref<8x32xf32, #tpu.memory_space<hbm>>
    %dma_start3A_340 = arith.constant 24 : i32
    %dma_start3A_341 = arith.constant 0 : i32
    %dma_start3A_342 = tpu.memref_slice %arg7[%dma_start3A_340, %dma_start3A_341] : memref<32x32xf32, #tpu.memory_space<vmem>> -> memref<8x32xf32, #tpu.memory_space<vmem>>
    tpu.enqueue_dma source(%dma_start3A_342 : memref<8x32xf32, #tpu.memory_space<vmem>>) target(%dma_start3A_339 : memref<8x32xf32, #tpu.memory_space<hbm>>) target_semaphore(%arg8 : memref<!tpu.dma_semaphore, #tpu.memory_space<semaphore_mem>>)
    %dma_wait3A_343 = arith.constant 0 : i32
    %dma_wait3A_344 = arith.constant 0 : i32
    %dma_wait3A_345 = tpu.memref_slice %arg7[%dma_wait3A_343, %dma_wait3A_344] : memref<32x32xf32, #tpu.memory_space<vmem>> -> memref<8x32xf32, #tpu.memory_space<vmem>>
    %dma_wait3A_346 = arith.constant 0 : i32
    %dma_wait3A_347 = tpu.memref_slice %arg4[%add3A_251, %dma_wait3A_346] : memref<1024x32xf32, #tpu.memory_space<hbm>> -> memref<8x32xf32, #tpu.memory_space<hbm>>
    %dma_wait3A_348 = arith.constant 0 : i32
    %dma_wait3A_349 = tpu.memref_slice %arg4[%add3A_251, %dma_wait3A_348] : memref<1024x32xf32, #tpu.memory_space<hbm>> -> memref<8x32xf32, #tpu.memory_space<hbm>>
    %dma_wait3A_350 = arith.constant 0 : i32
    %dma_wait3A_351 = arith.constant 0 : i32
    %dma_wait3A_352 = tpu.memref_slice %arg7[%dma_wait3A_350, %dma_wait3A_351] : memref<32x32xf32, #tpu.memory_space<vmem>> -> memref<8x32xf32, #tpu.memory_space<vmem>>
    tpu.wait_dma2 semaphore(%arg8 : memref<!tpu.dma_semaphore, #tpu.memory_space<semaphore_mem>>) src(%dma_wait3A_352 : memref<8x32xf32, #tpu.memory_space<vmem>>) dst(%dma_wait3A_349 : memref<8x32xf32, #tpu.memory_space<hbm>>)
    %dma_wait3A_353 = arith.constant 8 : i32
    %dma_wait3A_354 = arith.constant 0 : i32
    %dma_wait3A_355 = tpu.memref_slice %arg7[%dma_wait3A_353, %dma_wait3A_354] : memref<32x32xf32, #tpu.memory_space<vmem>> -> memref<8x32xf32, #tpu.memory_space<vmem>>
    %dma_wait3A_356 = arith.constant 0 : i32
    %dma_wait3A_357 = tpu.memref_slice %arg4[%add3A_278, %dma_wait3A_356] : memref<1024x32xf32, #tpu.memory_space<hbm>> -> memref<8x32xf32, #tpu.memory_space<hbm>>
    %dma_wait3A_358 = arith.constant 0 : i32
    %dma_wait3A_359 = tpu.memref_slice %arg4[%add3A_278, %dma_wait3A_358] : memref<1024x32xf32, #tpu.memory_space<hbm>> -> memref<8x32xf32, #tpu.memory_space<hbm>>
    %dma_wait3A_360 = arith.constant 8 : i32
    %dma_wait3A_361 = arith.constant 0 : i32
    %dma_wait3A_362 = tpu.memref_slice %arg7[%dma_wait3A_360, %dma_wait3A_361] : memref<32x32xf32, #tpu.memory_space<vmem>> -> memref<8x32xf32, #tpu.memory_space<vmem>>
    tpu.wait_dma2 semaphore(%arg8 : memref<!tpu.dma_semaphore, #tpu.memory_space<semaphore_mem>>) src(%dma_wait3A_362 : memref<8x32xf32, #tpu.memory_space<vmem>>) dst(%dma_wait3A_359 : memref<8x32xf32, #tpu.memory_space<hbm>>)
    %dma_wait3A_363 = arith.constant 16 : i32
    %dma_wait3A_364 = arith.constant 0 : i32
    %dma_wait3A_365 = tpu.memref_slice %arg7[%dma_wait3A_363, %dma_wait3A_364] : memref<32x32xf32, #tpu.memory_space<vmem>> -> memref<8x32xf32, #tpu.memory_space<vmem>>
    %dma_wait3A_366 = arith.constant 0 : i32
    %dma_wait3A_367 = tpu.memref_slice %arg4[%add3A_305, %dma_wait3A_366] : memref<1024x32xf32, #tpu.memory_space<hbm>> -> memref<8x32xf32, #tpu.memory_space<hbm>>
    %dma_wait3A_368 = arith.constant 0 : i32
    %dma_wait3A_369 = tpu.memref_slice %arg4[%add3A_305, %dma_wait3A_368] : memref<1024x32xf32, #tpu.memory_space<hbm>> -> memref<8x32xf32, #tpu.memory_space<hbm>>
    %dma_wait3A_370 = arith.constant 16 : i32
    %dma_wait3A_371 = arith.constant 0 : i32
    %dma_wait3A_372 = tpu.memref_slice %arg7[%dma_wait3A_370, %dma_wait3A_371] : memref<32x32xf32, #tpu.memory_space<vmem>> -> memref<8x32xf32, #tpu.memory_space<vmem>>
    tpu.wait_dma2 semaphore(%arg8 : memref<!tpu.dma_semaphore, #tpu.memory_space<semaphore_mem>>) src(%dma_wait3A_372 : memref<8x32xf32, #tpu.memory_space<vmem>>) dst(%dma_wait3A_369 : memref<8x32xf32, #tpu.memory_space<hbm>>)
    %dma_wait3A_373 = arith.constant 24 : i32
    %dma_wait3A_374 = arith.constant 0 : i32
    %dma_wait3A_375 = tpu.memref_slice %arg7[%dma_wait3A_373, %dma_wait3A_374] : memref<32x32xf32, #tpu.memory_space<vmem>> -> memref<8x32xf32, #tpu.memory_space<vmem>>
    %dma_wait3A_376 = arith.constant 0 : i32
    %dma_wait3A_377 = tpu.memref_slice %arg4[%add3A_332, %dma_wait3A_376] : memref<1024x32xf32, #tpu.memory_space<hbm>> -> memref<8x32xf32, #tpu.memory_space<hbm>>
    %dma_wait3A_378 = arith.constant 0 : i32
    %dma_wait3A_379 = tpu.memref_slice %arg4[%add3A_332, %dma_wait3A_378] : memref<1024x32xf32, #tpu.memory_space<hbm>> -> memref<8x32xf32, #tpu.memory_space<hbm>>
    %dma_wait3A_380 = arith.constant 24 : i32
    %dma_wait3A_381 = arith.constant 0 : i32
    %dma_wait3A_382 = tpu.memref_slice %arg7[%dma_wait3A_380, %dma_wait3A_381] : memref<32x32xf32, #tpu.memory_space<vmem>> -> memref<8x32xf32, #tpu.memory_space<vmem>>
    tpu.wait_dma2 semaphore(%arg8 : memref<!tpu.dma_semaphore, #tpu.memory_space<semaphore_mem>>) src(%dma_wait3A_382 : memref<8x32xf32, #tpu.memory_space<vmem>>) dst(%dma_wait3A_379 : memref<8x32xf32, #tpu.memory_space<hbm>>)
    return
  }
}

</mosaic_0001>

<sc_bundles>
// kernel: kernel.3.cloned.1.call-start
scs
__scs_entry_jumppad:
0x0: {  	(pc) =	sbr.rel $0x88, $3  }
0x1: {  	(tag) =	ssettag $0x0;
	lr =	simm.s32 $0x1  }
0x2: {  	[smem:$0x3F9E] =	sst lr;
	_ =	strace $0xD0000000  }
0x3: {  	_ = 	snop  }
0x4: {  	_ = 	snop  }
0x5: {  	_ = 	snop  }
0x6: {  	_ = 	snop  }
0x7: {  	_ = 	snop  }
__scs_overlays_trampoline_lowered:
0x8: {  	[smem:$0x3FAD] =	sst s0  }
0x9: {  	[smem:$0x3FAE] =	sst s1  }
0xa: {  	[smem:$0x3FAF] =	sst s2  }
0xb: {  	[smem:$0x3FB0] =	sst s3  }
0xc: {  	[smem:$0x3FB1] =	sst s4  }
0xd: {  	[smem:$0x3FB2] =	sst s5  }
0xe: {  	[smem:$0x3FB3] =	sst s6  }
0xf: {  	[smem:$0x3FB4] =	sst s7  }
0x10: {  	[smem:$0x3FB5] =	sst s8  }
0x11: {  	[smem:$0x3FB6] =	sst s9;
	s0 =	simm.s32 @!p0 $0x0  }
0x12: {  	s1 =	sld [smem:$0x3F9C];
	s0 =	simm.s32 @p0 $0x1  }
0x13: {  	[smem:$0x3FB7] =	sst s0;
	s0 =	simm.s32 @!p1 $0x0  }
0x14: {  	s2 =	sld [smem:$0x3F9B];
	s0 =	simm.s32 @p1 $0x1  }
0x15: {  	[smem:$0x3FB8] =	sst s0;
	s0 =	simm.s32 @!p2 $0x0  }
0x16: {  	s3 =	sld [smem:$0x3FDB];
	s0 =	simm.s32 @p2 $0x1  }
0x17: {  	s4 =	simm.s32 $0x1BF5;
	[smem:$0x3FBA] =	sst s0  }
0x18: {  	s0 =	sld [smem:$0x3F9D];
	_ =	swait.ge [sflag:s4], $0x0  }
0x19: {  	s7 =	sld [smem:$0x3F9E]  }
0x1a: {  	s8 =	sadd.s32 $0xFFFFE003, lr  }
0x1b: {  	s9 =	sadd.s32 $0xFFFFFEF7, lr;
	s5 =	simm.s32 $0xFFFFFFFF;
	p2 =	slt.u32 s8, $0xFFFFF086  }
0x1c: {  	p1 =	slt.u32 s9, $0xF7A;
	s5 =	simm.s32 @!p2 $0x0  }
0x1d: {  	s5 =	simm.s32 @p1 $0x1;
	p0 =	seq.s32 s7, s2  }
0x1e: {  	s7 =	smul.u32 @!p0 $0xF7A, s2;
	p2 =	seq.s32 @!p0 s5, $0x0  }
0x1f: {  	s9 =	smul.u32 $0xF7A, s1;
	s8 =	simm.s32 @!p0 $0x1BF5;
	p2 =	por !p2, p0  }
0x20: {  	[sflag:s8] =	ssyncset.s32 @!p0 $0xFFFFF086;
	s6 =	sadd.s32 @!p0 s3, s7;
	s7 =	simm.s32 @!p0 $0x108  }
0x21: {  	s3 =	sadd.s32 s3, s9;
	s6 =	sadd.s32 @!p0 $0x88, s6;
	s7 =	simm.s32 @p2 $0x1082  }
0x22: {  	[simem:s7], [sflag:s8] =	dma.local @!p0 [hbm:s6], $0xF7A  }
0x23: {  	s9 =	sor.u32 $0xD0000000, s2;
	s6 =	simm.s32 $0x108;
	_ =	swait.ge @!p0 [sflag:s8], $0x0  }
0x24: {  	s3 =	sadd.s32 $0x88, s3;
	s6 =	simm.s32 @!p1 $0x1082;
	[sflag:s4] =	ssyncset.s32 $0xFFFFF086  }
0x25: {  	[simem:s6], [sflag:s4] =	dma.local [hbm:s3], $0xF7A  }
0x26: {  	[smem:$0x3F9E] =	sst s1;
	(tag) =	ssettag s2;
	_ =	strace s9  }
0x27: {  	s1 =	sld [smem:$0x3FAE]  }
0x28: {  	s2 =	sld [smem:$0x3FAF]  }
0x29: {  	s4 =	sld [smem:$0x3FB1]  }
0x2a: {  	p0 =	seq.s32 s5, $0x0;
	s5 =	sld [smem:$0x3FB2]  }
0x2b: {  	s6 =	sld [smem:$0x3FB3]  }
0x2c: {  	s7 =	sld [smem:$0x3FB4]  }
0x2d: {  	s3 =	simm.s32 $0x108;
	s8 =	sld [smem:$0x3FB5]  }
0x2e: {  	s3 =	simm.s32 @!p0 $0x1082;
	s9 =	sld [smem:$0x3FB6]  }
0x2f: {  	lr =	sadd.s32 s0, s3;
	s0 =	sld [smem:$0x3FAD]  }
0x30: {  	s3 =	sld [smem:$0x3FB0]  }
0x31: {  	[smem:$0x3FB9] =	sst s10  }
0x32: {  	s10 =	sld [smem:$0x3FB7];
	_ =	sdelay $0x3  }
0x33: {  	p0 =	seq.s32 s10, $0x1;
	s10 =	sld [smem:$0x3FB9];
	_ =	sdelay $0x3  }
0x34: {  	[smem:$0x3FB9] =	sst s10  }
0x35: {  	s10 =	sld [smem:$0x3FB8];
	_ =	sdelay $0x3  }
0x36: {  	p1 =	seq.s32 s10, $0x1;
	s10 =	sld [smem:$0x3FB9];
	_ =	sdelay $0x3  }
0x37: {  	[smem:$0x3FB9] =	sst s10  }
0x38: {  	s10 =	sld [smem:$0x3FBA]  }
0x39: {  	_ = 	snop;
	(pc) =	sbr.ind lr, $3  }
0x3a: {  	_ = 	snop  }
0x3b: {  	_ = 	snop  }
0x3c: {  	p2 =	seq.s32 s10, $0x1;
	s10 =	sld [smem:$0x3FB9]  }
0x3d: {  	_ =	shalt  }
0x3e: {  	_ =	shalt  }
0x3f: {  	_ =	shalt  }
0x40: {  	_ =	shalt  }
0x41: {  	_ =	shalt  }
0x42: {  	_ =	shalt  }
0x43: {  	_ =	shalt  }
0x44: {  	_ =	shalt  }
0x45: {  	_ =	shalt  }
0x46: {  	_ =	shalt  }
0x47: {  	_ =	shalt  }
0x48: {  	_ =	shalt  }
0x49: {  	_ =	shalt  }
0x4a: {  	_ =	shalt  }
0x4b: {  	_ =	shalt  }
0x4c: {  	_ =	shalt  }
0x4d: {  	_ =	shalt  }
0x4e: {  	_ =	shalt  }
0x4f: {  	_ =	shalt  }
0x50: {  	_ =	shalt  }
0x51: {  	_ =	shalt  }
0x52: {  	_ =	shalt  }
0x53: {  	_ =	shalt  }
0x54: {  	_ =	shalt  }
0x55: {  	_ =	shalt  }
0x56: {  	_ =	shalt  }
0x57: {  	_ =	shalt  }
0x58: {  	_ =	shalt  }
0x59: {  	_ =	shalt  }
0x5a: {  	_ =	shalt  }
0x5b: {  	_ =	shalt  }
0x5c: {  	_ =	shalt  }
0x5d: {  	_ =	shalt  }
0x5e: {  	_ =	shalt  }
0x5f: {  	_ =	shalt  }
0x60: {  	_ =	shalt  }
0x61: {  	_ =	shalt  }
0x62: {  	_ =	shalt  }
0x63: {  	_ =	shalt  }
0x64: {  	_ =	shalt  }
0x65: {  	_ =	shalt  }
0x66: {  	_ =	shalt  }
0x67: {  	_ =	shalt  }
0x68: {  	_ =	shalt  }
0x69: {  	_ =	shalt  }
0x6a: {  	_ =	shalt  }
0x6b: {  	_ =	shalt  }
0x6c: {  	_ =	shalt  }
0x6d: {  	_ =	shalt  }
0x6e: {  	_ =	shalt  }
0x6f: {  	_ =	shalt  }
0x70: {  	_ =	shalt  }
0x71: {  	_ =	shalt  }
0x72: {  	_ =	shalt  }
0x73: {  	_ =	shalt  }
0x74: {  	_ =	shalt  }
0x75: {  	_ =	shalt  }
0x76: {  	_ =	shalt  }
0x77: {  	_ =	shalt  }
0x78: {  	_ =	shalt  }
0x79: {  	_ =	shalt  }
0x7a: {  	_ =	shalt  }
0x7b: {  	_ =	shalt  }
0x7c: {  	_ =	shalt  }
0x7d: {  	_ =	shalt  }
0x7e: {  	_ =	shalt  }
0x7f: {  	_ =	shalt  }
0x80: {  	_ =	shalt  }
0x81: {  	_ =	shalt  }
0x82: {  	_ =	shalt  }
0x83: {  	_ =	shalt  }
0x84: {  	_ =	shalt  }
0x85: {  	_ =	shalt  }
0x86: {  	_ =	shalt  }
0x87: {  	_ =	shalt  }
.Lfunc_end0:
.L_simem_size_0:
called_computation_lowered:
.L_overlay_start_0:
0x88: {  	s2 =	sld [smem:$0x3FD9]  }
0x89: {  	s3 =	sld [smem:$0x3FFE];
	_ =	sdelay $0x1  }
0x8a: {  	s1 =	srdreg.scid  }
0x8b: {  	s0 =	sand.u32 $0x1, s1  }
0x8c: {  	s17 =	sshll.u32 s0, $0xA;
	s2 =	sadd.s32 s3, s2  }
0x8d: {  	s2 =	sadd.s32 s2, s17  }
0x8e: {  	[smem:$0x3FC5] =	sst s2  }
0x8f: {  	_ = 	snop  }
0x90: {  	s2 =	sld [smem:$0x3FD0];
	(tm) =	ssettm $0x1  }
0x91: {  	s18 =	sld [smem:$0x3FFB];
	_ =	sdelay $0x3  }
0x92: {  	_ =	strace s18  }
0x93: {  	s3 =	sld [smem:$0x3FFC];
	_ =	sdelay $0x3  }
0x94: {  	_ =	strace s3  }
0x95: {  	s3 =	sld [smem:$0x3FFD];
	_ =	sdelay $0x3  }
0x96: {  	_ =	strace s3  }
0x97: {  	_ =	strace $0x8FFFFFFF  }
0x98: {  	s19 =	sld [smem:$0x3FDB];
	_ =	sdelay $0x1  }
0x99: {  	s4 =	simm.s32 $_scs_section_size  }
0x9a: {  	s5 =	simm.s32 $_size__tile_overlayer_lowered;
	s6 =	simm.s32 $_tile_overlayer_lowered  }
0x9b: {  	s22 =	simm.s32 $0x1BFF;
	s21 =	sshll.u32 s6, $0x1;
	s3 =	sadd.s32 s4, s19  }
0x9c: {  	s7 =	simm.s32 $0x0;
	s20 =	sshll.u32 s5, $0x1;
	s5 =	sadd.s32 s21, s3  }
0x9d: {  	[timem:s7], [sflag:s22] =	dma.local [hbm:s5], s20  }
0x9e: {  	_ =	swait.ge [sflag:s22], s20  }
0x9f: {  	s4 =	ssub.s32 $0x0, s20;
	[sflag:s22] =	ssyncset.done $0x0  }
0xa0: {  	[sflag:s22] =	ssyncadd.s32 s4;
	_ =	sdelay $0x1  }
0xa1: {  	s23 =	simm.s32 $0x1B8B  }
0xa2: {  	_ =	swait.ge [sflag:s23], $0x1  }
0xa3: {  	[sflag:s23] =	ssyncset.done $0x0  }
0xa4: {  	s25 =	simm.s32 $0x1B8E;
	s24 =	sld [smem:$0x3FFE];
	[sflag:s23] =	ssyncadd.s32 $0xFFFFFFFF  }
0xa5: {  	s26 =	simm.s32 $execute0_lowered;
	[smem:$0x3FD2] =	sst s25  }
0xa6: {  	s5 =	sshll.u32 s26, $0x1;
	_ =	strace $0x80000046;
	[dreg:$0x1] =	wrdreg $0xFFFFFFFF  }
0xa7: {  	s28 =	simm.s32 $_size_execute0_lowered;
	s3 =	sadd.s32 s3, s5;
	[dreg:$0x0] =	wrdreg $0x0  }
0xa8: {  	s5 =	sshll.u32 s28, $0x1;
	[dreg:$0x2] =	wrdreg s3  }
0xa9: {  	[dreg:$0x3] =	wrdreg s5  }
0xaa: {  	[dreg:$0x4] =	wrdreg $0xC0  }
0xab: {  	_ =	task [dreg:s7], $0x5FFFF  }
0xac: {  	[dreg:$0x1] =	wrdreg $0xFFFFFFFF  }
0xad: {  	[dreg:$0x0] =	wrdreg $0x60  }
0xae: {  	[dreg:$0x2] =	wrdreg s24  }
0xaf: {  	[dreg:$0x3] =	wrdreg s2  }
0xb0: {  	[dreg:$0x4] =	wrdreg $0x9  }
0xb1: {  	_ =	task.clear_ibuf [dreg:s7], $0x5FFFF;
	_ =	strace $0x90000046  }
0xb2: {  	s29 =	simm.s32 $0x9;
	_ =	strace $0x80000048  }
0xb3: {  	_ =	swait.ge [sflag:s29], $0x1  }
0xb4: {  	[sflag:s29] =	ssyncadd.s32 $0xFFFFFFFF  }
0xb5: {  	_ =	strace $0x90000048  }
0xb6: {  	_ =	sfence  }
0xb7: {  	s30 =	sld [smem:$0x0];
	_ =	sdelay $0x2  }
0xb8: {  	s31 =	sshll.u32 s1, $0xD;
	s1 =	sshrl.u32 s1, $0x2  }
0xb9: {  	s3 =	sand.u32 $0x4000, s31;
	s1 =	sadd.s32 s1, s30  }
0xba: {  	s0 =	sor.u32 s3, s0;
	s1 =	sshll.u32 s1, $0x11  }
0xbb: {  	s0 =	sor.u32 s1, s0  }
0xbc: {  	s0 =	sadd.s32 $0x8F2B, s0  }
0xbd: {  	[sflag:s0] =	ssyncadd.remote.s32 $0x1  }
0xbe: {  	_ =	sfence.sel $0xFFFF  }
0xbf: {  	[dreg:$0x0] =	wrdreg $0xFFFFFFFF;
	(pc) =	sbr.abs _section_cstart, $3  }
0xc0: {  	[dreg:$0x1] =	wrdreg $0xFFFFFFFF  }
0xc1: {  	_ =	task.clear_ibuf [dreg:s7], $0x2FFFF;
	_ =	strace $0x9FFFFFFF  }
0xc2: {  	(tm) =	ssettm $0x7FFFFFFF  }
0xc3: {  	_ =	shalt  }
tec
execute0_lowered:
.L_overlay_start_1:
0x0: {  	(tag) =	ssettag $0x1  }
0x1: {  	s4 =	rddreg [dreg:$0x0]  }
0x2: {  	s2 =	rddreg [dreg:$0x1]  }
0x3: {  	s0 =	rddreg [dreg:$0x2];
	s5 =	srdreg.scid  }
0x4: {  	s3 =	simm.s32 $0x0;
	s1 =	stileid.u32;
	s16 =	simm.s32 $0x3800  }
0x5: {  	s17 =	simm.s32 $0x1;
	s18 =	simm.s32 $0x2;
	s19 =	simm.s32 $0x4800  }
0x6: {  	s20 =	simm.s32 $0x3;
	s21 =	simm.s32 $0x4C00;
	s22 =	simm.s32 $0x4  }
0x7: {  	s23 =	simm.s32 $0x5000;
	s24 =	simm.s32 $0x5;
	s25 =	simm.s32 $0x5400  }
0x8: {  	s5 =	sand.u32 $0x1, s5;
	[smem:$0x7FF] =	sst s3;
	s6 =	sshll.u32 s1, $0x6  }
0x9: {  	s8 =	sadd.s32 $0x200, s4;
	s11 =	sadd.s32 $0x10200, s4;
	s7 =	sshll.u32 s5, $0x5  }
0xa: {  	_ =	strace $0x80000047;
	s26 =	ssub.s32 $0x2, s5;
	s6 =	sor.u32 s7, s6  }
0xb: {  	s5 =	sshrl.u32 s26, $0x1;
	s7 =	sshrl.u32 s6, $0x3;
	s9 =	sshll.u32 s6, $0x6  }
0xc: {  	s12 =	ssub.s32 s26, s5;
	s15 =	sshll.u32 s6, $0x4;
	s26 =	simm.s32 $0x0  }
0xd: {  	s10 =	sor.u32 $0x1, s7;
	s4 =	sadd.s32 s8, s9;
	s29 =	sor.u32 $0x2, s7  }
0xe: {  	s13 =	sor.u32 $0x3, s7;
	s12 =	smax.u32 s12, $0x1;
	s28 =	sshll.u32 s10, $0x9  }
0xf: {  	s30 =	sshll.u32 s29, $0x9;
	s14 =	sshll.u32 s13, $0x9;
	s10 =	sshll.u32 s10, $0x7  }
0x10: {  	s31 =	sshll.u32 s29, $0x7;
	s13 =	sshll.u32 s13, $0x7;
	s5 =	sadd.s32 s8, s28  }
0x11: {  	s6 =	sadd.s32 s8, s30;
	s7 =	sadd.s32 s8, s14;
	s8 =	sadd.s32 s11, s15  }
0x12: {  	s9 =	sadd.s32 s11, s10;
	s10 =	sadd.s32 s11, s31;
	s11 =	sadd.s32 s11, s13  }
0x13: {  	s13 =	simm.s32 $0x800;
	s14 =	simm.s32 $0x1800;
	s15 =	simm.s32 $0x2800  }
.LBB2_1:
0x14: {  	[tilespmem:s3], [sflag:$0x1] =	stream.linear.gather [hbm4b:s2+s3], $0x600, $0x38;
	[tilespmem:$0x5800] =	vst v63  }
0x15: {  	_ = 	snop  }
0x16: {  	[tilespmem:s13], [sflag:$0x2] =	stream.linear.gather [hbm4b:s4+s3], $0x1000, $0x38;
	[tilespmem:$0x5800] =	vst v63  }
0x17: {  	_ = 	snop  }
0x18: {  	[tilespmem:s14], [sflag:$0x3] =	stream.linear.gather [hbm4b:s5+s3], $0x1000, $0x38;
	[tilespmem:$0x5800] =	vst v63  }
0x19: {  	_ = 	snop  }
0x1a: {  	[tilespmem:s15], [sflag:$0x4] =	stream.linear.gather [hbm4b:s6+s3], $0x1000, $0x38;
	[tilespmem:$0x5800] =	vst v63  }
0x1b: {  	_ = 	snop  }
0x1c: {  	[tilespmem:s16], [sflag:$0x5] =	stream.linear.gather [hbm4b:s7+s3], $0x1000, $0x38;
	[tilespmem:$0x5800] =	vst v63  }
0x1d: {  	_ =	swait.ge [sflag:s17], $0x600  }
0x1e: {  	[sflag:s17] =	ssyncset.done $0x0  }
0x1f: {  	[sflag:s17] =	ssyncadd.s32 $0xFFFFFA00  }
0x20: {  	v0 =	vld [tilespmem:$0x200]  }
0x21: {  	v1 =	vld [tilespmem:$0x400]  }
0x22: {  	v2 =	vld [tilespmem:$0x280]  }
0x23: {  	v3 =	vld [tilespmem:$0x480]  }
0x24: {  	v4 =	vld [tilespmem:$0x300]  }
0x25: {  	v5 =	vld [tilespmem:$0x500]  }
0x26: {  	v7 =	vld [tilespmem:$0x380];
	v6 =	vmul.f32 v1, v0  }
0x27: {  	v8 =	vld [tilespmem:$0x580]  }
0x28: {  	v9 =	vmul.f32 v3, v2;
	v6 =	vadd.f32 $0.0e+00, v6;
	_ =	sdelay $0x1  }
0x29: {  	v6 =	vadd.f32 v9, v6;
	v9 =	vmul.f32 v5, v4;
	_ =	sdelay $0x1  }
0x2a: {  	v6 =	vadd.f32 v9, v6;
	v9 =	vmul.f32 v8, v7;
	_ =	sdelay $0x1  }
0x2b: {  	v6 =	vadd.f32 v9, v6;
	_ =	sdelay $0x1  }
0x2c: {  	v9 =	vbroadcast v6, $0x0;
	v10 =	vbroadcast v6, $0x1;
	_ =	sdelay $0x1  }
0x2d: {  	v9 =	vadd.f32 v10, v9;
	v10 =	vbroadcast v6, $0x2;
	_ =	sdelay $0x1  }
0x2e: {  	v11 =	vld [tilespmem:$0x0];
	v9 =	vadd.f32 v9, v10;
	v10 =	vbroadcast v6, $0x3;
	_ =	sdelay $0x1  }
0x2f: {  	v12 =	vld [tilespmem:$0x80];
	v9 =	vadd.f32 v9, v10;
	v10 =	vbroadcast v6, $0x4;
	_ =	sdelay $0x1  }
0x30: {  	v13 =	vld [tilespmem:$0x100];
	v9 =	vadd.f32 v9, v10;
	v10 =	vbroadcast v6, $0x5  }
0x31: {  	v0 =	vsub.f32 v11, v0  }
0x32: {  	v9 =	vadd.f32 v9, v10;
	v10 =	vbroadcast v6, $0x6  }
0x33: {  	v11 =	vld [tilespmem:$0x180];
	v0 =	vmul.f32 v1, v0;
	v1 =	vsub.f32 v12, v2  }
0x34: {  	v9 =	vadd.f32 v9, v10;
	v10 =	vbroadcast v6, $0x7  }
0x35: {  	v0 =	vadd.f32 $0.0e+00, v0;
	v1 =	vmul.f32 v3, v1;
	v3 =	vsub.f32 v13, v4  }
0x36: {  	v2 =	vadd.f32 v9, v10;
	v9 =	vbroadcast v6, $0x8  }
0x37: {  	v0 =	vadd.f32 v1, v0;
	v1 =	vmul.f32 v5, v3  }
0x38: {  	v3 =	vsub.f32 v11, v7;
	v4 =	vbroadcast v6, $0x9;
	v2 =	vadd.f32 v2, v9  }
0x39: {  	_ =	swait.ge [sflag:s18], $0x1000;
	v0 =	vadd.f32 v1, v0  }
0x3a: {  	[sflag:s18] =	ssyncset.done $0x0;
	v1 =	vmul.f32 v8, v3;
	v2 =	vadd.f32 v2, v4;
	v4 =	vbroadcast v6, $0xA  }
0x3b: {  	s28 =	simm.s32 $0x0;
	[sflag:s18] =	ssyncadd.s32 $0xFFFFF000  }
0x3c: {  	v16 =	vld [tilespmem:s28+$0x810];
	v3 =	vbroadcast v6, $0xB;
	v1 =	vadd.f32 v1, v0;
	v2 =	vadd.f32 v2, v4  }
0x3d: {  	v19 =	vld [tilespmem:s28+$0x830];
	v0 =	vbroadcast v6, $0xC;
	v17 =	vbroadcast v6, $0xF  }
0x3e: {  	v21 =	vld [tilespmem:s28+$0x820];
	v15 =	vbroadcast v1, $0x0;
	v14 =	vbroadcast v1, $0x1;
	v2 =	vadd.f32 v2, v3  }
0x3f: {  	v22 =	vld [tilespmem:s28+$0x870];
	v13 =	vbroadcast v1, $0x2;
	v12 =	vbroadcast v1, $0x3  }
0x40: {  	v20 =	vld [tilespmem:s28+$0x850];
	v11 =	vbroadcast v1, $0x4;
	v4 =	vbroadcast v6, $0xD;
	v0 =	vadd.f32 v2, v0  }
0x41: {  	v18 =	vld [tilespmem:s28+$0x800];
	v8 =	vbroadcast v1, $0x7;
	v7 =	vbroadcast v1, $0x8  }
0x42: {  	v5 =	vbroadcast v1, $0xA;
	v3 =	vbroadcast v6, $0xE;
	v0 =	vadd.f32 v0, v4  }
0x43: {  	v23 =	vld [tilespmem:s28+$0x840];
	v2 =	vmul.f32 v16, v15;
	v4 =	vmul.f32 v19, v14  }
0x44: {  	v24 =	vld [tilespmem:s28+$0xC10];
	v26 =	vmul.f32 v21, v14;
	v30 =	vmul.f32 v22, v12;
	v0 =	vadd.f32 v0, v3  }
0x45: {  	v25 =	vld [tilespmem:s28+$0x860];
	v10 =	vbroadcast v1, $0x5;
	v2 =	vadd.f32 v4, v2;
	v3 =	vmul.f32 v20, v13  }
0x46: {  	v27 =	vld [tilespmem:s28+$0xC30];
	v9 =	vbroadcast v1, $0x6;
	v0 =	vadd.f32 v0, v17;
	v17 =	vmul.f32 v18, v15  }
0x47: {  	v28 =	vld [tilespmem:s28+$0xC00];
	v6 =	vbroadcast v1, $0x9;
	v16 =	vmax.f32 v16, v19;
	v29 =	vadd.f32 v3, v2  }
0x48: {  	v31 =	vld [tilespmem:s28+$0xC50];
	v16 =	vmax.f32 v16, v20;
	v17 =	vadd.f32 v26, v17;
	v26 =	vmul.f32 v23, v13  }
0x49: {  	v32 =	vld [tilespmem:s28+$0xC20];
	v16 =	vmax.f32 v16, v22;
	v29 =	vadd.f32 v30, v29;
	v30 =	vmul.f32 v24, v11  }
0x4a: {  	v33 =	vld [tilespmem:s28+$0xC70];
	v16 =	vmax.f32 v16, v24;
	v17 =	vadd.f32 v26, v17;
	v26 =	vmul.f32 v25, v12  }
0x4b: {  	v18 =	vmax.f32 v18, v21;
	v21 =	vld [tilespmem:s28+$0xC40];
	v29 =	vadd.f32 v30, v29;
	v30 =	vmul.f32 v27, v10  }
0x4c: {  	v18 =	vmax.f32 v18, v23;
	v23 =	vmul.f32 v28, v11;
	v17 =	vadd.f32 v26, v17;
	v26 =	vld [tilespmem:s28+$0x1010]  }
0x4d: {  	v34 =	vld [tilespmem:s28+$0xC60];
	v18 =	vmax.f32 v18, v25;
	v25 =	vadd.f32 v30, v29;
	v29 =	vmul.f32 v31, v9  }
0x4e: {  	v18 =	vmax.f32 v18, v28;
	v28 =	vmul.f32 v32, v10;
	v30 =	vld [tilespmem:s28+$0x1030];
	v23 =	vadd.f32 v23, v17  }
0x4f: {  	v4 =	vbroadcast v1, $0xB;
	v17 =	vld [tilespmem:s28+$0x1000];
	v25 =	vadd.f32 v29, v25;
	v29 =	vmul.f32 v33, v8  }
0x50: {  	v62 =	vld [tilespmem:s28+$0x1050];
	v18 =	vmax.f32 v18, v32;
	v23 =	vadd.f32 v28, v23;
	v28 =	vmul.f32 v21, v9  }
0x51: {  	v21 =	vmax.f32 v18, v21;
	v18 =	vld [tilespmem:s28+$0x1020];
	v25 =	vadd.f32 v29, v25;
	v29 =	vmul.f32 v26, v7  }
0x52: {  	v35 =	vld [tilespmem:s28+$0x1070];
	v16 =	vmax.f32 v16, v27;
	v23 =	vadd.f32 v28, v23;
	v28 =	vmul.f32 v34, v8  }
0x53: {  	v19 =	vld [tilespmem:s28+$0x1040];
	v16 =	vmax.f32 v16, v31;
	v22 =	vadd.f32 v29, v25;
	v25 =	vmul.f32 v30, v6  }
0x54: {  	v2 =	vbroadcast v1, $0xC;
	v24 =	vld [tilespmem:s28+$0x1410];
	v23 =	vadd.f32 v28, v23;
	v28 =	vmul.f32 v17, v7  }
0x55: {  	v20 =	vld [tilespmem:s28+$0x1060];
	v3 =	vbroadcast v1, $0xD;
	v27 =	vmul.f32 v62, v5;
	v22 =	vadd.f32 v25, v22  }
0x56: {  	v16 =	vmax.f32 v16, v33;
	v29 =	vmul.f32 v18, v6;
	v25 =	vld [tilespmem:s28+$0x1430];
	v28 =	vadd.f32 v28, v23  }
0x57: {  	v31 =	vmul.f32 v35, v4;
	v16 =	vmax.f32 v16, v26;
	v26 =	vld [tilespmem:s28+$0x1450];
	v27 =	vadd.f32 v27, v22  }
0x58: {  	v1 =	vbroadcast v1, $0xE;
	v63 =	vmul.f32 v19, v5;
	v23 =	vld [tilespmem:s28+$0x1400];
	v29 =	vadd.f32 v29, v28  }
0x59: {  	v36 =	vmul.f32 v24, v2;
	v16 =	vmax.f32 v16, v30;
	v22 =	vld [tilespmem:s28+$0x1420];
	v30 =	vadd.f32 v31, v27  }
0x5a: {  	s29 =	simm.s32 $0x80;
	v28 =	vmax.f32 v21, v34;
	v21 =	vld [tilespmem:s28+$0x1440];
	v27 =	vadd.f32 v63, v29;
	v29 =	vmax.f32 v16, v62  }
0x5b: {  	s30 =	simm.s32 $0x400;
	v16 =	vld [tilespmem:s29+$0x810];
	v31 =	vmax.f32 v29, v35;
	v29 =	vadd.f32 v36, v30;
	v30 =	vmul.f32 v25, v3  }
.LBB2_2:
0x5c: {  	p0 =	sne.s32 s30, $0xE00;
	v32 =	vld [tilespmem:s29+$0x830];
	v17 =	vmax.f32 v28, v17;
	v28 =	vmul.f32 v20, v4;
	v24 =	vmax.f32 v31, v24  }
0x5d: {  	v31 =	vld [tilespmem:s29+$0x800];
	v29 =	vadd.f32 v30, v29;
	v24 =	vmax.f32 v24, v25;
	v25 =	vmul.f32 v26, v1  }
0x5e: {  	v17 =	vmax.f32 v17, v18;
	v30 =	vld [tilespmem:s29+$0x850];
	v18 =	vadd.f32 v28, v27;
	v24 =	vmax.f32 v24, v26  }
0x5f: {  	v27 =	vmul.f32 v23, v2;
	v26 =	vld [tilespmem:s29+$0x820];
	v25 =	vadd.f32 v25, v29;
	v24 =	vmul.f32 v24, v0  }
0x60: {  	v17 =	vmax.f32 v17, v19;
	v19 =	vmul.f32 v22, v3;
	v29 =	vmul.f32 v21, v1;
	v28 =	vld [tilespmem:s29+$0x870]  }
0x61: {  	v34 =	vmul.f32 v16, v15;
	v33 =	vld [tilespmem:s29+$0x840];
	v35 =	vmul.f32 v32, v14;
	v24 =	vadd.f32 v24, v25  }
0x62: {  	v17 =	vmax.f32 v17, v20;
	v18 =	vadd.f32 v27, v18;
	v25 =	vmul.f32 v31, v15;
	v36 =	vld [tilespmem:s29+$0xC10]  }
0x63: {  	v17 =	vmax.f32 v17, v23;
	v20 =	vld [tilespmem:s29+$0x860];
	v27 =	vadd.f32 v35, v34;
	v34 =	vmul.f32 v30, v13;
	[tilespmem:s28+$0x4810] =	vst v24  }
0x64: {  	v18 =	vadd.f32 v19, v18;
	v23 =	vmul.f32 v26, v14;
	v24 =	vmax.f32 v31, v26;
	v26 =	vld [tilespmem:s29+$0xC30]  }
0x65: {  	v17 =	vmax.f32 v17, v22;
	v19 =	vld [tilespmem:s29+$0xC00];
	v27 =	vadd.f32 v34, v27;
	v31 =	vmul.f32 v28, v12  }
0x66: {  	v22 =	vadd.f32 v23, v25;
	v23 =	vmul.f32 v33, v13;
	v24 =	vmax.f32 v24, v33;
	v25 =	vld [tilespmem:s29+$0xC50]  }
0x67: {  	v17 =	vmax.f32 v17, v21;
	v33 =	vld [tilespmem:s29+$0xC20];
	v27 =	vadd.f32 v31, v27;
	v31 =	vmul.f32 v36, v11  }
0x68: {  	v21 =	vadd.f32 v23, v22;
	v22 =	vmul.f32 v20, v12;
	v20 =	vmax.f32 v24, v20;
	v34 =	vld [tilespmem:s29+$0xC70]  }
0x69: {  	v18 =	vadd.f32 v29, v18;
	v23 =	vld [tilespmem:s29+$0xC40];
	v24 =	vadd.f32 v31, v27;
	v27 =	vmul.f32 v26, v10  }
0x6a: {  	v21 =	vadd.f32 v22, v21;
	v22 =	vmul.f32 v19, v11;
	v19 =	vmax.f32 v20, v19;
	v29 =	vld [tilespmem:s29+$0x1010]  }
0x6b: {  	v31 =	vld [tilespmem:s29+$0xC60];
	v20 =	vadd.f32 v27, v24;
	v24 =	vmul.f32 v25, v9;
	v27 =	vmul.f32 v17, v0  }
0x6c: {  	v21 =	vadd.f32 v22, v21;
	v22 =	vmul.f32 v33, v10;
	v19 =	vmax.f32 v19, v33;
	v33 =	vld [tilespmem:s29+$0x1030]  }
0x6d: {  	v17 =	vld [tilespmem:s29+$0x1000];
	v20 =	vadd.f32 v24, v20;
	v24 =	vmul.f32 v34, v8;
	v27 =	vadd.f32 v27, v18  }
0x6e: {  	v21 =	vadd.f32 v22, v21;
	v22 =	vmul.f32 v23, v9;
	v35 =	vmax.f32 v19, v23;
	v37 =	vld [tilespmem:s29+$0x1050]  }
0x6f: {  	v16 =	vmax.f32 v16, v32;
	v18 =	vld [tilespmem:s29+$0x1020];
	v20 =	vadd.f32 v24, v20;
	v23 =	vmul.f32 v29, v7;
	[tilespmem:s28+$0x4800] =	vst v27;
	s28 =	smov.u32 s29  }
0x70: {  	v16 =	vmax.f32 v16, v30;
	v21 =	vadd.f32 v22, v21;
	v22 =	vmul.f32 v31, v8;
	v30 =	vld [tilespmem:s28+$0x1070]  }
0x71: {  	v16 =	vmax.f32 v16, v28;
	v19 =	vld [tilespmem:s28+$0x1040];
	v23 =	vadd.f32 v23, v20;
	v27 =	vmul.f32 v33, v6  }
0x72: {  	v16 =	vmax.f32 v16, v36;
	v21 =	vadd.f32 v22, v21;
	v22 =	vmul.f32 v17, v7;
	v24 =	vld [tilespmem:s28+$0x1410]  }
0x73: {  	v16 =	vmax.f32 v16, v26;
	v20 =	vld [tilespmem:s28+$0x1060];
	v26 =	vadd.f32 v27, v23;
	v27 =	vmul.f32 v37, v5  }
0x74: {  	v16 =	vmax.f32 v16, v25;
	v21 =	vadd.f32 v22, v21;
	v22 =	vmul.f32 v18, v6;
	v25 =	vld [tilespmem:s28+$0x1430]  }
.Ltmp0:
0x75: {  	v16 =	vmax.f32 v16, v34;
	v23 =	vld [tilespmem:s28+$0x1400];
	v27 =	vadd.f32 v27, v26;
	v28 =	vmul.f32 v30, v4;
	(pc) =	sbr.rel @p0 .LBB2_2-.Ltmp0, $4  }
0x76: {  	v16 =	vmax.f32 v16, v29;
	v21 =	vadd.f32 v22, v21;
	v32 =	vmul.f32 v19, v5;
	v26 =	vld [tilespmem:s28+$0x1450]  }
0x77: {  	v16 =	vmax.f32 v16, v33;
	v22 =	vld [tilespmem:s28+$0x1420];
	v29 =	vadd.f32 v28, v27;
	v33 =	vmul.f32 v24, v2  }
0x78: {  	s29 =	sshra.s32 s30, $0x2;
	v28 =	vmax.f32 v35, v31;
	v31 =	vmax.f32 v16, v37;
	v27 =	vadd.f32 v32, v21;
	v21 =	vld [tilespmem:s28+$0x1440]  }
0x79: {  	s30 =	sadd.s32 $0x200, s30;
	v31 =	vmax.f32 v31, v30;
	v16 =	vld [tilespmem:s29+$0x810];
	v29 =	vadd.f32 v33, v29;
	v30 =	vmul.f32 v25, v3  }
0x7a: {  	v24 =	vmax.f32 v31, v24;
	v33 =	vmul.f32 v20, v4;
	v17 =	vmax.f32 v28, v17  }
0x7b: {  	v32 =	vld [tilespmem:s29+$0x830];
	v29 =	vadd.f32 v30, v29;
	v24 =	vmax.f32 v24, v25;
	v25 =	vmul.f32 v26, v1  }
0x7c: {  	v31 =	vld [tilespmem:s29+$0x800];
	v17 =	vmax.f32 v17, v18;
	v24 =	vmax.f32 v24, v26;
	v18 =	vadd.f32 v33, v27  }
0x7d: {  	v30 =	vld [tilespmem:s29+$0x850];
	v27 =	vmul.f32 v23, v2;
	v52 =	vmul.f32 v22, v3;
	v17 =	vmax.f32 v17, v19  }
0x7e: {  	v26 =	vld [tilespmem:s29+$0x820];
	v25 =	vadd.f32 v25, v29;
	v24 =	vmul.f32 v24, v0;
	v34 =	vmul.f32 v21, v1  }
0x7f: {  	v28 =	vld [tilespmem:s29+$0x870];
	v17 =	vmax.f32 v17, v20;
	v19 =	vmul.f32 v16, v15;
	v18 =	vadd.f32 v27, v18  }
0x80: {  	v29 =	vld [tilespmem:s29+$0x840];
	v17 =	vmax.f32 v17, v23;
	v24 =	vadd.f32 v24, v25;
	v35 =	vmul.f32 v32, v14  }
0x81: {  	v25 =	vld [tilespmem:s29+$0xC10];
	v20 =	vmul.f32 v31, v15;
	v17 =	vmax.f32 v17, v22;
	v16 =	vmax.f32 v16, v32  }
0x82: {  	v36 =	vld [tilespmem:s29+$0x860];
	v18 =	vadd.f32 v52, v18;
	[tilespmem:s28+$0x4810] =	vst v24;
	v19 =	vadd.f32 v35, v19;
	v24 =	vmul.f32 v30, v13  }
0x83: {  	v17 =	vmax.f32 v17, v21;
	v16 =	vmax.f32 v16, v30;
	v27 =	vmul.f32 v26, v14;
	v23 =	vld [tilespmem:s29+$0xC30]  }
0x84: {  	v26 =	vmax.f32 v31, v26;
	v31 =	vld [tilespmem:s29+$0xC00];
	v19 =	vadd.f32 v24, v19;
	v24 =	vmul.f32 v28, v12  }
0x85: {  	v17 =	vmul.f32 v17, v0;
	v22 =	vld [tilespmem:s29+$0xC50];
	v20 =	vadd.f32 v27, v20;
	v27 =	vmul.f32 v29, v13  }
0x86: {  	v26 =	vmax.f32 v26, v29;
	v29 =	vld [tilespmem:s29+$0xC20];
	v19 =	vadd.f32 v24, v19;
	v24 =	vmul.f32 v25, v11  }
0x87: {  	v16 =	vmax.f32 v16, v28;
	v21 =	vld [tilespmem:s29+$0xC70];
	v20 =	vadd.f32 v27, v20;
	v27 =	vmul.f32 v36, v12  }
0x88: {  	v53 =	vld [tilespmem:s29+$0xC40];
	v18 =	vadd.f32 v34, v18;
	v19 =	vadd.f32 v24, v19;
	v24 =	vmul.f32 v23, v10  }
0x89: {  	v54 =	vld [tilespmem:s29+$0x1010];
	v26 =	vmax.f32 v26, v36;
	v20 =	vadd.f32 v27, v20;
	v27 =	vmul.f32 v31, v11  }
0x8a: {  	v26 =	vmax.f32 v26, v31;
	v31 =	vld [tilespmem:s29+$0xC60];
	v19 =	vadd.f32 v24, v19;
	v24 =	vmul.f32 v22, v9  }
0x8b: {  	v55 =	vld [tilespmem:s29+$0x1030];
	v17 =	vadd.f32 v17, v18;
	v20 =	vadd.f32 v27, v20;
	v27 =	vmul.f32 v29, v10  }
0x8c: {  	v26 =	vmax.f32 v26, v29;
	v29 =	vld [tilespmem:s29+$0x1000];
	v19 =	vadd.f32 v24, v19;
	v24 =	vmul.f32 v21, v8  }
0x8d: {  	v18 =	vld [tilespmem:s29+$0x1050];
	v16 =	vmax.f32 v16, v25;
	v20 =	vadd.f32 v27, v20;
	v27 =	vmul.f32 v53, v9  }
0x8e: {  	v56 =	vld [tilespmem:s29+$0x1020];
	v16 =	vmax.f32 v16, v23;
	[tilespmem:s28+$0x4800] =	vst v17;
	v19 =	vadd.f32 v24, v19;
	v24 =	vmul.f32 v54, v7  }
0x8f: {  	v16 =	vmax.f32 v16, v22;
	v17 =	vadd.f32 v27, v20;
	v20 =	vmul.f32 v31, v8;
	v27 =	vld [tilespmem:s29+$0x1070]  }
0x90: {  	v26 =	vmax.f32 v26, v53;
	v30 =	vld [tilespmem:s29+$0x1040];
	v19 =	vadd.f32 v24, v19;
	v24 =	vmul.f32 v55, v6  }
0x91: {  	v16 =	vmax.f32 v16, v21;
	v25 =	vld [tilespmem:s29+$0x1410];
	v17 =	vadd.f32 v20, v17;
	v20 =	vmul.f32 v29, v7  }
0x92: {  	v23 =	vmul.f32 v18, v5;
	v16 =	vmax.f32 v16, v54;
	v19 =	vadd.f32 v24, v19;
	v24 =	vld [tilespmem:s29+$0x1060]  }
0x93: {  	v22 =	vld [tilespmem:s29+$0x1430];
	v16 =	vmax.f32 v16, v55;
	v17 =	vadd.f32 v20, v17;
	v20 =	vmul.f32 v56, v6  }
0x94: {  	v26 =	vmax.f32 v26, v31;
	v21 =	vmul.f32 v27, v4;
	v19 =	vadd.f32 v23, v19;
	v23 =	vld [tilespmem:s29+$0x1400]  }
0x95: {  	v16 =	vmax.f32 v16, v18;
	v18 =	vld [tilespmem:s29+$0x1450];
	v17 =	vadd.f32 v20, v17;
	v20 =	vmul.f32 v30, v5  }
0x96: {  	v28 =	vld [tilespmem:s29+$0x1420];
	v16 =	vmax.f32 v16, v27;
	v19 =	vadd.f32 v21, v19;
	v21 =	vmul.f32 v25, v2  }
0x97: {  	v16 =	vmax.f32 v16, v25;
	v17 =	vadd.f32 v20, v17;
	v20 =	vmul.f32 v24, v4  }
0x98: {  	v26 =	vmax.f32 v26, v29;
	v16 =	vmax.f32 v16, v22;
	v19 =	vadd.f32 v21, v19;
	v21 =	vld [tilespmem:s29+$0x1440]  }
0x99: {  	v25 =	vmax.f32 v26, v56;
	v17 =	vadd.f32 v20, v17;
	v20 =	vmul.f32 v23, v2  }
0x9a: {  	v27 =	vmul.f32 v22, v3;
	v16 =	vmax.f32 v16, v18;
	v22 =	vmax.f32 v25, v30  }
0x9b: {  	v25 =	vmul.f32 v28, v3;
	v22 =	vmax.f32 v22, v24;
	v17 =	vadd.f32 v20, v17  }
0x9c: {  	v19 =	vadd.f32 v27, v19;
	v20 =	vmul.f32 v18, v1;
	v18 =	vmax.f32 v22, v23  }
0x9d: {  	v18 =	vmax.f32 v18, v28;
	v22 =	vmul.f32 v21, v1;
	v17 =	vadd.f32 v25, v17  }
0x9e: {  	v16 =	vmul.f32 v16, v0;
	v19 =	vadd.f32 v20, v19;
	v18 =	vmax.f32 v18, v21  }
0x9f: {  	v18 =	vmul.f32 v18, v0;
	v17 =	vadd.f32 v22, v17  }
0xa0: {  	v16 =	vadd.f32 v16, v19  }
0xa1: {  	v17 =	vadd.f32 v18, v17  }
0xa2: {  	[tilespmem:s29+$0x4810] =	vst v16  }
0xa3: {  	s28 =	simm.s32 $0x0;
	[tilespmem:s29+$0x4800] =	vst v17  }
0xa4: {  	[hbm4b:s8+s28] =	stream.linear.scatter [tilespmem:s19], [sflag:$0x1], $0x400, $0x38;
	[tilespmem:$0x5800] =	vst v63  }
0xa5: {  	_ =	swait.ge [sflag:s20], $0x1000  }
0xa6: {  	[sflag:s20] =	ssyncset.done $0x0  }
0xa7: {  	s28 =	simm.s32 $0x0;
	[sflag:s20] =	ssyncadd.s32 $0xFFFFF000  }
0xa8: {  	v16 =	vld [tilespmem:s28+$0x1810]  }
0xa9: {  	v19 =	vld [tilespmem:s28+$0x1830]  }
0xaa: {  	v17 =	vld [tilespmem:s28+$0x1800]  }
0xab: {  	v20 =	vld [tilespmem:s28+$0x1850]  }
0xac: {  	v18 =	vld [tilespmem:s28+$0x1820]  }
0xad: {  	v21 =	vld [tilespmem:s28+$0x1870]  }
0xae: {  	v22 =	vld [tilespmem:s28+$0x1840];
	v23 =	vmul.f32 v16, v15;
	v24 =	vmul.f32 v19, v14  }
0xaf: {  	v25 =	vld [tilespmem:s28+$0x1C10]  }
0xb0: {  	v26 =	vld [tilespmem:s28+$0x1860];
	v23 =	vadd.f32 v24, v23;
	v24 =	vmul.f32 v20, v13  }
0xb1: {  	v29 =	vld [tilespmem:s28+$0x1C30];
	v27 =	vmul.f32 v17, v15;
	v28 =	vmul.f32 v18, v14  }
0xb2: {  	v30 =	vld [tilespmem:s28+$0x1C00];
	v17 =	vmax.f32 v17, v18;
	v23 =	vadd.f32 v24, v23;
	v24 =	vmul.f32 v21, v12  }
0xb3: {  	v31 =	vld [tilespmem:s28+$0x1C50];
	v16 =	vmax.f32 v16, v19;
	v27 =	vadd.f32 v28, v27;
	v28 =	vmul.f32 v22, v13  }
0xb4: {  	v57 =	vld [tilespmem:s28+$0x1C20];
	v17 =	vmax.f32 v17, v22;
	v23 =	vadd.f32 v24, v23;
	v24 =	vmul.f32 v25, v11  }
0xb5: {  	v58 =	vld [tilespmem:s28+$0x1C70];
	v16 =	vmax.f32 v16, v20;
	v27 =	vadd.f32 v28, v27;
	v28 =	vmul.f32 v26, v12  }
0xb6: {  	v18 =	vld [tilespmem:s28+$0x1C40];
	v17 =	vmax.f32 v17, v26;
	v23 =	vadd.f32 v24, v23;
	v24 =	vmul.f32 v29, v10  }
0xb7: {  	v16 =	vmax.f32 v16, v21;
	v22 =	vadd.f32 v28, v27;
	v27 =	vmul.f32 v30, v11;
	v28 =	vld [tilespmem:s28+$0x2010]  }
0xb8: {  	v59 =	vld [tilespmem:s28+$0x1C60];
	v17 =	vmax.f32 v17, v30;
	v23 =	vadd.f32 v24, v23;
	v24 =	vmul.f32 v31, v9  }
0xb9: {  	v16 =	vmax.f32 v16, v25;
	v26 =	vmul.f32 v57, v10;
	v22 =	vadd.f32 v27, v22;
	v27 =	vld [tilespmem:s28+$0x2030]  }
0xba: {  	v30 =	vmax.f32 v17, v57;
	v17 =	vld [tilespmem:s28+$0x2000];
	v23 =	vadd.f32 v24, v23;
	v24 =	vmul.f32 v58, v8  }
0xbb: {  	v60 =	vld [tilespmem:s28+$0x2050];
	v16 =	vmax.f32 v16, v29;
	v22 =	vadd.f32 v26, v22;
	v26 =	vmul.f32 v18, v9  }
0xbc: {  	v30 =	vmax.f32 v30, v18;
	v18 =	vld [tilespmem:s28+$0x2020];
	v23 =	vadd.f32 v24, v23;
	v24 =	vmul.f32 v28, v7  }
0xbd: {  	v61 =	vld [tilespmem:s28+$0x2070];
	v16 =	vmax.f32 v16, v31;
	v22 =	vadd.f32 v26, v22;
	v26 =	vmul.f32 v59, v8  }
0xbe: {  	v19 =	vld [tilespmem:s28+$0x2040];
	v16 =	vmax.f32 v16, v58;
	v21 =	vadd.f32 v24, v23;
	v23 =	vmul.f32 v27, v6  }
0xbf: {  	v16 =	vmax.f32 v16, v28;
	v22 =	vadd.f32 v26, v22;
	v26 =	vmul.f32 v17, v7;
	v24 =	vld [tilespmem:s28+$0x2410]  }
0xc0: {  	v20 =	vld [tilespmem:s28+$0x2060];
	v29 =	vmul.f32 v60, v5;
	v16 =	vmax.f32 v16, v27;
	v21 =	vadd.f32 v23, v21  }
0xc1: {  	s29 =	simm.s32 $0x80;
	v25 =	vld [tilespmem:s28+$0x2430];
	v28 =	vmax.f32 v30, v59;
	v22 =	vadd.f32 v26, v22;
	v26 =	vmul.f32 v18, v6  }
0xc2: {  	v30 =	vmax.f32 v16, v60;
	v16 =	vld [tilespmem:s29+$0x1810];
	v21 =	vadd.f32 v29, v21;
	v29 =	vmul.f32 v61, v4  }
0xc3: {  	v62 =	vmul.f32 v19, v5;
	v31 =	vadd.f32 v26, v22;
	v26 =	vld [tilespmem:s28+$0x2450]  }
0xc4: {  	v23 =	vld [tilespmem:s28+$0x2400];
	v63 =	vmul.f32 v24, v2;
	v29 =	vadd.f32 v29, v21  }
0xc5: {  	v22 =	vld [tilespmem:s28+$0x2420];
	v27 =	vadd.f32 v62, v31  }
0xc6: {  	s30 =	simm.s32 $0x400;
	v31 =	vmax.f32 v30, v61;
	v30 =	vmul.f32 v25, v3;
	v21 =	vld [tilespmem:s28+$0x2440];
	v29 =	vadd.f32 v63, v29  }
.LBB2_4:
0xc7: {  	p0 =	sne.s32 s30, $0xE00;
	v32 =	vld [tilespmem:s29+$0x1830];
	v17 =	vmax.f32 v28, v17;
	v28 =	vmul.f32 v20, v4;
	v24 =	vmax.f32 v31, v24  }
0xc8: {  	v31 =	vld [tilespmem:s29+$0x1800];
	v29 =	vadd.f32 v30, v29;
	v24 =	vmax.f32 v24, v25;
	v25 =	vmul.f32 v26, v1  }
0xc9: {  	v17 =	vmax.f32 v17, v18;
	v30 =	vld [tilespmem:s29+$0x1850];
	v18 =	vadd.f32 v28, v27;
	v24 =	vmax.f32 v24, v26  }
0xca: {  	v27 =	vmul.f32 v23, v2;
	v26 =	vld [tilespmem:s29+$0x1820];
	v25 =	vadd.f32 v25, v29;
	v24 =	vmul.f32 v24, v0  }
0xcb: {  	v17 =	vmax.f32 v17, v19;
	v19 =	vmul.f32 v22, v3;
	v29 =	vmul.f32 v21, v1;
	v28 =	vld [tilespmem:s29+$0x1870]  }
0xcc: {  	v34 =	vmul.f32 v16, v15;
	v33 =	vld [tilespmem:s29+$0x1840];
	v35 =	vmul.f32 v32, v14;
	v24 =	vadd.f32 v24, v25  }
0xcd: {  	v17 =	vmax.f32 v17, v20;
	v18 =	vadd.f32 v27, v18;
	v25 =	vmul.f32 v31, v15;
	v36 =	vld [tilespmem:s29+$0x1C10]  }
0xce: {  	v17 =	vmax.f32 v17, v23;
	v20 =	vld [tilespmem:s29+$0x1860];
	v27 =	vadd.f32 v35, v34;
	v34 =	vmul.f32 v30, v13;
	[tilespmem:s28+$0x4C10] =	vst v24  }
0xcf: {  	v18 =	vadd.f32 v19, v18;
	v23 =	vmul.f32 v26, v14;
	v24 =	vmax.f32 v31, v26;
	v26 =	vld [tilespmem:s29+$0x1C30]  }
0xd0: {  	v17 =	vmax.f32 v17, v22;
	v19 =	vld [tilespmem:s29+$0x1C00];
	v27 =	vadd.f32 v34, v27;
	v31 =	vmul.f32 v28, v12  }
0xd1: {  	v22 =	vadd.f32 v23, v25;
	v23 =	vmul.f32 v33, v13;
	v24 =	vmax.f32 v24, v33;
	v25 =	vld [tilespmem:s29+$0x1C50]  }
0xd2: {  	v17 =	vmax.f32 v17, v21;
	v33 =	vld [tilespmem:s29+$0x1C20];
	v27 =	vadd.f32 v31, v27;
	v31 =	vmul.f32 v36, v11  }
0xd3: {  	v21 =	vadd.f32 v23, v22;
	v22 =	vmul.f32 v20, v12;
	v20 =	vmax.f32 v24, v20;
	v34 =	vld [tilespmem:s29+$0x1C70]  }
0xd4: {  	v18 =	vadd.f32 v29, v18;
	v23 =	vld [tilespmem:s29+$0x1C40];
	v24 =	vadd.f32 v31, v27;
	v27 =	vmul.f32 v26, v10  }
0xd5: {  	v21 =	vadd.f32 v22, v21;
	v22 =	vmul.f32 v19, v11;
	v19 =	vmax.f32 v20, v19;
	v29 =	vld [tilespmem:s29+$0x2010]  }
0xd6: {  	v31 =	vld [tilespmem:s29+$0x1C60];
	v20 =	vadd.f32 v27, v24;
	v24 =	vmul.f32 v25, v9;
	v27 =	vmul.f32 v17, v0  }
0xd7: {  	v21 =	vadd.f32 v22, v21;
	v22 =	vmul.f32 v33, v10;
	v19 =	vmax.f32 v19, v33;
	v33 =	vld [tilespmem:s29+$0x2030]  }
0xd8: {  	v17 =	vld [tilespmem:s29+$0x2000];
	v20 =	vadd.f32 v24, v20;
	v24 =	vmul.f32 v34, v8;
	v27 =	vadd.f32 v27, v18  }
0xd9: {  	v21 =	vadd.f32 v22, v21;
	v22 =	vmul.f32 v23, v9;
	v35 =	vmax.f32 v19, v23;
	v37 =	vld [tilespmem:s29+$0x2050]  }
0xda: {  	v16 =	vmax.f32 v16, v32;
	v18 =	vld [tilespmem:s29+$0x2020];
	v20 =	vadd.f32 v24, v20;
	v23 =	vmul.f32 v29, v7;
	[tilespmem:s28+$0x4C00] =	vst v27;
	s28 =	smov.u32 s29  }
0xdb: {  	v16 =	vmax.f32 v16, v30;
	v21 =	vadd.f32 v22, v21;
	v22 =	vmul.f32 v31, v8;
	v30 =	vld [tilespmem:s28+$0x2070]  }
0xdc: {  	v16 =	vmax.f32 v16, v28;
	v19 =	vld [tilespmem:s28+$0x2040];
	v23 =	vadd.f32 v23, v20;
	v27 =	vmul.f32 v33, v6  }
0xdd: {  	v16 =	vmax.f32 v16, v36;
	v21 =	vadd.f32 v22, v21;
	v22 =	vmul.f32 v17, v7;
	v24 =	vld [tilespmem:s28+$0x2410]  }
0xde: {  	v16 =	vmax.f32 v16, v26;
	v20 =	vld [tilespmem:s28+$0x2060];
	v26 =	vadd.f32 v27, v23;
	v27 =	vmul.f32 v37, v5  }
0xdf: {  	v16 =	vmax.f32 v16, v25;
	v21 =	vadd.f32 v22, v21;
	v22 =	vmul.f32 v18, v6;
	v25 =	vld [tilespmem:s28+$0x2430]  }
.Ltmp1:
0xe0: {  	v16 =	vmax.f32 v16, v34;
	v23 =	vld [tilespmem:s28+$0x2400];
	v27 =	vadd.f32 v27, v26;
	v28 =	vmul.f32 v30, v4;
	(pc) =	sbr.rel @p0 .LBB2_4-.Ltmp1, $4  }
0xe1: {  	v16 =	vmax.f32 v16, v29;
	v21 =	vadd.f32 v22, v21;
	v32 =	vmul.f32 v19, v5;
	v26 =	vld [tilespmem:s28+$0x2450]  }
0xe2: {  	v16 =	vmax.f32 v16, v33;
	v22 =	vld [tilespmem:s28+$0x2420];
	v29 =	vadd.f32 v28, v27;
	v33 =	vmul.f32 v24, v2  }
0xe3: {  	s29 =	sshra.s32 s30, $0x2;
	v28 =	vmax.f32 v35, v31;
	v31 =	vmax.f32 v16, v37;
	v27 =	vadd.f32 v32, v21;
	v21 =	vld [tilespmem:s28+$0x2440]  }
0xe4: {  	s30 =	sadd.s32 $0x200, s30;
	v31 =	vmax.f32 v31, v30;
	v16 =	vld [tilespmem:s29+$0x1810];
	v29 =	vadd.f32 v33, v29;
	v30 =	vmul.f32 v25, v3  }
0xe5: {  	v24 =	vmax.f32 v31, v24;
	v33 =	vmul.f32 v20, v4;
	v17 =	vmax.f32 v28, v17  }
0xe6: {  	v32 =	vld [tilespmem:s29+$0x1830];
	v29 =	vadd.f32 v30, v29;
	v24 =	vmax.f32 v24, v25;
	v25 =	vmul.f32 v26, v1  }
0xe7: {  	v31 =	vld [tilespmem:s29+$0x1800];
	v17 =	vmax.f32 v17, v18;
	v24 =	vmax.f32 v24, v26;
	v18 =	vadd.f32 v33, v27  }
0xe8: {  	v30 =	vld [tilespmem:s29+$0x1850];
	v27 =	vmul.f32 v23, v2;
	v52 =	vmul.f32 v22, v3;
	v17 =	vmax.f32 v17, v19  }
0xe9: {  	v26 =	vld [tilespmem:s29+$0x1820];
	v25 =	vadd.f32 v25, v29;
	v24 =	vmul.f32 v24, v0;
	v34 =	vmul.f32 v21, v1  }
0xea: {  	v28 =	vld [tilespmem:s29+$0x1870];
	v17 =	vmax.f32 v17, v20;
	v19 =	vmul.f32 v16, v15;
	v18 =	vadd.f32 v27, v18  }
0xeb: {  	v29 =	vld [tilespmem:s29+$0x1840];
	v17 =	vmax.f32 v17, v23;
	v24 =	vadd.f32 v24, v25;
	v35 =	vmul.f32 v32, v14  }
0xec: {  	v25 =	vld [tilespmem:s29+$0x1C10];
	v20 =	vmul.f32 v31, v15;
	v17 =	vmax.f32 v17, v22;
	v16 =	vmax.f32 v16, v32  }
0xed: {  	v36 =	vld [tilespmem:s29+$0x1860];
	v18 =	vadd.f32 v52, v18;
	[tilespmem:s28+$0x4C10] =	vst v24;
	v19 =	vadd.f32 v35, v19;
	v24 =	vmul.f32 v30, v13  }
0xee: {  	v17 =	vmax.f32 v17, v21;
	v16 =	vmax.f32 v16, v30;
	v27 =	vmul.f32 v26, v14;
	v23 =	vld [tilespmem:s29+$0x1C30]  }
0xef: {  	v26 =	vmax.f32 v31, v26;
	v31 =	vld [tilespmem:s29+$0x1C00];
	v19 =	vadd.f32 v24, v19;
	v24 =	vmul.f32 v28, v12  }
0xf0: {  	v17 =	vmul.f32 v17, v0;
	v22 =	vld [tilespmem:s29+$0x1C50];
	v20 =	vadd.f32 v27, v20;
	v27 =	vmul.f32 v29, v13  }
0xf1: {  	v26 =	vmax.f32 v26, v29;
	v29 =	vld [tilespmem:s29+$0x1C20];
	v19 =	vadd.f32 v24, v19;
	v24 =	vmul.f32 v25, v11  }
0xf2: {  	v16 =	vmax.f32 v16, v28;
	v21 =	vld [tilespmem:s29+$0x1C70];
	v20 =	vadd.f32 v27, v20;
	v27 =	vmul.f32 v36, v12  }
0xf3: {  	v53 =	vld [tilespmem:s29+$0x1C40];
	v18 =	vadd.f32 v34, v18;
	v19 =	vadd.f32 v24, v19;
	v24 =	vmul.f32 v23, v10  }
0xf4: {  	v54 =	vld [tilespmem:s29+$0x2010];
	v26 =	vmax.f32 v26, v36;
	v20 =	vadd.f32 v27, v20;
	v27 =	vmul.f32 v31, v11  }
0xf5: {  	v26 =	vmax.f32 v26, v31;
	v31 =	vld [tilespmem:s29+$0x1C60];
	v19 =	vadd.f32 v24, v19;
	v24 =	vmul.f32 v22, v9  }
0xf6: {  	v55 =	vld [tilespmem:s29+$0x2030];
	v17 =	vadd.f32 v17, v18;
	v20 =	vadd.f32 v27, v20;
	v27 =	vmul.f32 v29, v10  }
0xf7: {  	v26 =	vmax.f32 v26, v29;
	v29 =	vld [tilespmem:s29+$0x2000];
	v19 =	vadd.f32 v24, v19;
	v24 =	vmul.f32 v21, v8  }
0xf8: {  	v18 =	vld [tilespmem:s29+$0x2050];
	v16 =	vmax.f32 v16, v25;
	v20 =	vadd.f32 v27, v20;
	v27 =	vmul.f32 v53, v9  }
0xf9: {  	v56 =	vld [tilespmem:s29+$0x2020];
	v16 =	vmax.f32 v16, v23;
	[tilespmem:s28+$0x4C00] =	vst v17;
	v19 =	vadd.f32 v24, v19;
	v24 =	vmul.f32 v54, v7  }
0xfa: {  	v16 =	vmax.f32 v16, v22;
	v17 =	vadd.f32 v27, v20;
	v20 =	vmul.f32 v31, v8;
	v27 =	vld [tilespmem:s29+$0x2070]  }
0xfb: {  	v26 =	vmax.f32 v26, v53;
	v30 =	vld [tilespmem:s29+$0x2040];
	v19 =	vadd.f32 v24, v19;
	v24 =	vmul.f32 v55, v6  }
0xfc: {  	v16 =	vmax.f32 v16, v21;
	v25 =	vld [tilespmem:s29+$0x2410];
	v17 =	vadd.f32 v20, v17;
	v20 =	vmul.f32 v29, v7  }
0xfd: {  	v23 =	vmul.f32 v18, v5;
	v16 =	vmax.f32 v16, v54;
	v19 =	vadd.f32 v24, v19;
	v24 =	vld [tilespmem:s29+$0x2060]  }
0xfe: {  	v22 =	vld [tilespmem:s29+$0x2430];
	v16 =	vmax.f32 v16, v55;
	v17 =	vadd.f32 v20, v17;
	v20 =	vmul.f32 v56, v6  }
0xff: {  	v26 =	vmax.f32 v26, v31;
	v21 =	vmul.f32 v27, v4;
	v19 =	vadd.f32 v23, v19;
	v23 =	vld [tilespmem:s29+$0x2400]  }
0x100: {  	v16 =	vmax.f32 v16, v18;
	v18 =	vld [tilespmem:s29+$0x2450];
	v17 =	vadd.f32 v20, v17;
	v20 =	vmul.f32 v30, v5  }
0x101: {  	v28 =	vld [tilespmem:s29+$0x2420];
	v16 =	vmax.f32 v16, v27;
	v19 =	vadd.f32 v21, v19;
	v21 =	vmul.f32 v25, v2  }
0x102: {  	v16 =	vmax.f32 v16, v25;
	v17 =	vadd.f32 v20, v17;
	v20 =	vmul.f32 v24, v4  }
0x103: {  	v26 =	vmax.f32 v26, v29;
	v16 =	vmax.f32 v16, v22;
	v19 =	vadd.f32 v21, v19;
	v21 =	vld [tilespmem:s29+$0x2440]  }
0x104: {  	v25 =	vmax.f32 v26, v56;
	v17 =	vadd.f32 v20, v17;
	v20 =	vmul.f32 v23, v2  }
0x105: {  	v27 =	vmul.f32 v22, v3;
	v16 =	vmax.f32 v16, v18;
	v22 =	vmax.f32 v25, v30  }
0x106: {  	v25 =	vmul.f32 v28, v3;
	v22 =	vmax.f32 v22, v24;
	v17 =	vadd.f32 v20, v17  }
0x107: {  	v19 =	vadd.f32 v27, v19;
	v20 =	vmul.f32 v18, v1;
	v18 =	vmax.f32 v22, v23  }
0x108: {  	v18 =	vmax.f32 v18, v28;
	v22 =	vmul.f32 v21, v1;
	v17 =	vadd.f32 v25, v17  }
0x109: {  	v16 =	vmul.f32 v16, v0;
	v19 =	vadd.f32 v20, v19;
	v18 =	vmax.f32 v18, v21  }
0x10a: {  	v18 =	vmul.f32 v18, v0;
	v17 =	vadd.f32 v22, v17  }
0x10b: {  	v16 =	vadd.f32 v16, v19  }
0x10c: {  	v17 =	vadd.f32 v18, v17  }
0x10d: {  	[tilespmem:s29+$0x4C10] =	vst v16  }
0x10e: {  	s28 =	simm.s32 $0x0;
	[tilespmem:s29+$0x4C00] =	vst v17  }
0x10f: {  	[hbm4b:s9+s28] =	stream.linear.scatter [tilespmem:s21], [sflag:$0x1], $0x400, $0x38;
	[tilespmem:$0x5800] =	vst v63  }
0x110: {  	_ =	swait.ge [sflag:s22], $0x1000  }
0x111: {  	[sflag:s22] =	ssyncset.done $0x0  }
0x112: {  	s28 =	simm.s32 $0x0;
	[sflag:s22] =	ssyncadd.s32 $0xFFFFF000  }
0x113: {  	v16 =	vld [tilespmem:s28+$0x2810]  }
0x114: {  	v19 =	vld [tilespmem:s28+$0x2830]  }
0x115: {  	v17 =	vld [tilespmem:s28+$0x2800]  }
0x116: {  	v20 =	vld [tilespmem:s28+$0x2850]  }
0x117: {  	v18 =	vld [tilespmem:s28+$0x2820]  }
0x118: {  	v21 =	vld [tilespmem:s28+$0x2870]  }
0x119: {  	v22 =	vld [tilespmem:s28+$0x2840];
	v23 =	vmul.f32 v16, v15;
	v24 =	vmul.f32 v19, v14  }
0x11a: {  	v25 =	vld [tilespmem:s28+$0x2C10]  }
0x11b: {  	v26 =	vld [tilespmem:s28+$0x2860];
	v23 =	vadd.f32 v24, v23;
	v24 =	vmul.f32 v20, v13  }
0x11c: {  	v29 =	vld [tilespmem:s28+$0x2C30];
	v27 =	vmul.f32 v17, v15;
	v28 =	vmul.f32 v18, v14  }
0x11d: {  	v30 =	vld [tilespmem:s28+$0x2C00];
	v17 =	vmax.f32 v17, v18;
	v23 =	vadd.f32 v24, v23;
	v24 =	vmul.f32 v21, v12  }
0x11e: {  	v31 =	vld [tilespmem:s28+$0x2C50];
	v16 =	vmax.f32 v16, v19;
	v27 =	vadd.f32 v28, v27;
	v28 =	vmul.f32 v22, v13  }
0x11f: {  	v57 =	vld [tilespmem:s28+$0x2C20];
	v17 =	vmax.f32 v17, v22;
	v23 =	vadd.f32 v24, v23;
	v24 =	vmul.f32 v25, v11  }
0x120: {  	v58 =	vld [tilespmem:s28+$0x2C70];
	v16 =	vmax.f32 v16, v20;
	v27 =	vadd.f32 v28, v27;
	v28 =	vmul.f32 v26, v12  }
0x121: {  	v18 =	vld [tilespmem:s28+$0x2C40];
	v17 =	vmax.f32 v17, v26;
	v23 =	vadd.f32 v24, v23;
	v24 =	vmul.f32 v29, v10  }
0x122: {  	v16 =	vmax.f32 v16, v21;
	v22 =	vadd.f32 v28, v27;
	v27 =	vmul.f32 v30, v11;
	v28 =	vld [tilespmem:s28+$0x3010]  }
0x123: {  	v59 =	vld [tilespmem:s28+$0x2C60];
	v17 =	vmax.f32 v17, v30;
	v23 =	vadd.f32 v24, v23;
	v24 =	vmul.f32 v31, v9  }
0x124: {  	v16 =	vmax.f32 v16, v25;
	v26 =	vmul.f32 v57, v10;
	v22 =	vadd.f32 v27, v22;
	v27 =	vld [tilespmem:s28+$0x3030]  }
0x125: {  	v30 =	vmax.f32 v17, v57;
	v17 =	vld [tilespmem:s28+$0x3000];
	v23 =	vadd.f32 v24, v23;
	v24 =	vmul.f32 v58, v8  }
0x126: {  	v60 =	vld [tilespmem:s28+$0x3050];
	v16 =	vmax.f32 v16, v29;
	v22 =	vadd.f32 v26, v22;
	v26 =	vmul.f32 v18, v9  }
0x127: {  	v30 =	vmax.f32 v30, v18;
	v18 =	vld [tilespmem:s28+$0x3020];
	v23 =	vadd.f32 v24, v23;
	v24 =	vmul.f32 v28, v7  }
0x128: {  	v61 =	vld [tilespmem:s28+$0x3070];
	v16 =	vmax.f32 v16, v31;
	v22 =	vadd.f32 v26, v22;
	v26 =	vmul.f32 v59, v8  }
0x129: {  	v19 =	vld [tilespmem:s28+$0x3040];
	v16 =	vmax.f32 v16, v58;
	v21 =	vadd.f32 v24, v23;
	v23 =	vmul.f32 v27, v6  }
0x12a: {  	v16 =	vmax.f32 v16, v28;
	v22 =	vadd.f32 v26, v22;
	v26 =	vmul.f32 v17, v7;
	v24 =	vld [tilespmem:s28+$0x3410]  }
0x12b: {  	v20 =	vld [tilespmem:s28+$0x3060];
	v29 =	vmul.f32 v60, v5;
	v16 =	vmax.f32 v16, v27;
	v21 =	vadd.f32 v23, v21  }
0x12c: {  	s29 =	simm.s32 $0x80;
	v25 =	vld [tilespmem:s28+$0x3430];
	v28 =	vmax.f32 v30, v59;
	v22 =	vadd.f32 v26, v22;
	v26 =	vmul.f32 v18, v6  }
0x12d: {  	v30 =	vmax.f32 v16, v60;
	v16 =	vld [tilespmem:s29+$0x2810];
	v21 =	vadd.f32 v29, v21;
	v29 =	vmul.f32 v61, v4  }
0x12e: {  	v62 =	vmul.f32 v19, v5;
	v31 =	vadd.f32 v26, v22;
	v26 =	vld [tilespmem:s28+$0x3450]  }
0x12f: {  	v23 =	vld [tilespmem:s28+$0x3400];
	v63 =	vmul.f32 v24, v2;
	v29 =	vadd.f32 v29, v21  }
0x130: {  	v22 =	vld [tilespmem:s28+$0x3420];
	v27 =	vadd.f32 v62, v31  }
0x131: {  	s30 =	simm.s32 $0x400;
	v31 =	vmax.f32 v30, v61;
	v30 =	vmul.f32 v25, v3;
	v21 =	vld [tilespmem:s28+$0x3440];
	v29 =	vadd.f32 v63, v29  }
.LBB2_6:
0x132: {  	p0 =	sne.s32 s30, $0xE00;
	v32 =	vld [tilespmem:s29+$0x2830];
	v17 =	vmax.f32 v28, v17;
	v28 =	vmul.f32 v20, v4;
	v24 =	vmax.f32 v31, v24  }
0x133: {  	v31 =	vld [tilespmem:s29+$0x2800];
	v29 =	vadd.f32 v30, v29;
	v24 =	vmax.f32 v24, v25;
	v25 =	vmul.f32 v26, v1  }
0x134: {  	v17 =	vmax.f32 v17, v18;
	v30 =	vld [tilespmem:s29+$0x2850];
	v18 =	vadd.f32 v28, v27;
	v24 =	vmax.f32 v24, v26  }
0x135: {  	v27 =	vmul.f32 v23, v2;
	v26 =	vld [tilespmem:s29+$0x2820];
	v25 =	vadd.f32 v25, v29;
	v24 =	vmul.f32 v24, v0  }
0x136: {  	v17 =	vmax.f32 v17, v19;
	v19 =	vmul.f32 v22, v3;
	v29 =	vmul.f32 v21, v1;
	v28 =	vld [tilespmem:s29+$0x2870]  }
0x137: {  	v34 =	vmul.f32 v16, v15;
	v33 =	vld [tilespmem:s29+$0x2840];
	v35 =	vmul.f32 v32, v14;
	v24 =	vadd.f32 v24, v25  }
0x138: {  	v17 =	vmax.f32 v17, v20;
	v18 =	vadd.f32 v27, v18;
	v25 =	vmul.f32 v31, v15;
	v36 =	vld [tilespmem:s29+$0x2C10]  }
0x139: {  	v17 =	vmax.f32 v17, v23;
	v20 =	vld [tilespmem:s29+$0x2860];
	v27 =	vadd.f32 v35, v34;
	v34 =	vmul.f32 v30, v13;
	[tilespmem:s28+$0x5010] =	vst v24  }
0x13a: {  	v18 =	vadd.f32 v19, v18;
	v23 =	vmul.f32 v26, v14;
	v24 =	vmax.f32 v31, v26;
	v26 =	vld [tilespmem:s29+$0x2C30]  }
0x13b: {  	v17 =	vmax.f32 v17, v22;
	v19 =	vld [tilespmem:s29+$0x2C00];
	v27 =	vadd.f32 v34, v27;
	v31 =	vmul.f32 v28, v12  }
0x13c: {  	v22 =	vadd.f32 v23, v25;
	v23 =	vmul.f32 v33, v13;
	v24 =	vmax.f32 v24, v33;
	v25 =	vld [tilespmem:s29+$0x2C50]  }
0x13d: {  	v17 =	vmax.f32 v17, v21;
	v33 =	vld [tilespmem:s29+$0x2C20];
	v27 =	vadd.f32 v31, v27;
	v31 =	vmul.f32 v36, v11  }
0x13e: {  	v21 =	vadd.f32 v23, v22;
	v22 =	vmul.f32 v20, v12;
	v20 =	vmax.f32 v24, v20;
	v34 =	vld [tilespmem:s29+$0x2C70]  }
0x13f: {  	v18 =	vadd.f32 v29, v18;
	v23 =	vld [tilespmem:s29+$0x2C40];
	v24 =	vadd.f32 v31, v27;
	v27 =	vmul.f32 v26, v10  }
0x140: {  	v21 =	vadd.f32 v22, v21;
	v22 =	vmul.f32 v19, v11;
	v19 =	vmax.f32 v20, v19;
	v29 =	vld [tilespmem:s29+$0x3010]  }
0x141: {  	v31 =	vld [tilespmem:s29+$0x2C60];
	v20 =	vadd.f32 v27, v24;
	v24 =	vmul.f32 v25, v9;
	v27 =	vmul.f32 v17, v0  }
0x142: {  	v21 =	vadd.f32 v22, v21;
	v22 =	vmul.f32 v33, v10;
	v19 =	vmax.f32 v19, v33;
	v33 =	vld [tilespmem:s29+$0x3030]  }
0x143: {  	v17 =	vld [tilespmem:s29+$0x3000];
	v20 =	vadd.f32 v24, v20;
	v24 =	vmul.f32 v34, v8;
	v27 =	vadd.f32 v27, v18  }
0x144: {  	v21 =	vadd.f32 v22, v21;
	v22 =	vmul.f32 v23, v9;
	v35 =	vmax.f32 v19, v23;
	v37 =	vld [tilespmem:s29+$0x3050]  }
0x145: {  	v16 =	vmax.f32 v16, v32;
	v18 =	vld [tilespmem:s29+$0x3020];
	v20 =	vadd.f32 v24, v20;
	v23 =	vmul.f32 v29, v7;
	[tilespmem:s28+$0x5000] =	vst v27;
	s28 =	smov.u32 s29  }
0x146: {  	v16 =	vmax.f32 v16, v30;
	v21 =	vadd.f32 v22, v21;
	v22 =	vmul.f32 v31, v8;
	v30 =	vld [tilespmem:s28+$0x3070]  }
0x147: {  	v16 =	vmax.f32 v16, v28;
	v19 =	vld [tilespmem:s28+$0x3040];
	v23 =	vadd.f32 v23, v20;
	v27 =	vmul.f32 v33, v6  }
0x148: {  	v16 =	vmax.f32 v16, v36;
	v21 =	vadd.f32 v22, v21;
	v22 =	vmul.f32 v17, v7;
	v24 =	vld [tilespmem:s28+$0x3410]  }
0x149: {  	v16 =	vmax.f32 v16, v26;
	v20 =	vld [tilespmem:s28+$0x3060];
	v26 =	vadd.f32 v27, v23;
	v27 =	vmul.f32 v37, v5  }
0x14a: {  	v16 =	vmax.f32 v16, v25;
	v21 =	vadd.f32 v22, v21;
	v22 =	vmul.f32 v18, v6;
	v25 =	vld [tilespmem:s28+$0x3430]  }
.Ltmp2:
0x14b: {  	v16 =	vmax.f32 v16, v34;
	v23 =	vld [tilespmem:s28+$0x3400];
	v27 =	vadd.f32 v27, v26;
	v28 =	vmul.f32 v30, v4;
	(pc) =	sbr.rel @p0 .LBB2_6-.Ltmp2, $4  }
0x14c: {  	v16 =	vmax.f32 v16, v29;
	v21 =	vadd.f32 v22, v21;
	v32 =	vmul.f32 v19, v5;
	v26 =	vld [tilespmem:s28+$0x3450]  }
0x14d: {  	v16 =	vmax.f32 v16, v33;
	v22 =	vld [tilespmem:s28+$0x3420];
	v29 =	vadd.f32 v28, v27;
	v33 =	vmul.f32 v24, v2  }
0x14e: {  	s29 =	sshra.s32 s30, $0x2;
	v28 =	vmax.f32 v35, v31;
	v31 =	vmax.f32 v16, v37;
	v27 =	vadd.f32 v32, v21;
	v21 =	vld [tilespmem:s28+$0x3440]  }
0x14f: {  	s30 =	sadd.s32 $0x200, s30;
	v31 =	vmax.f32 v31, v30;
	v16 =	vld [tilespmem:s29+$0x2810];
	v29 =	vadd.f32 v33, v29;
	v30 =	vmul.f32 v25, v3  }
0x150: {  	v24 =	vmax.f32 v31, v24;
	v33 =	vmul.f32 v20, v4;
	v17 =	vmax.f32 v28, v17  }
0x151: {  	v32 =	vld [tilespmem:s29+$0x2830];
	v29 =	vadd.f32 v30, v29;
	v24 =	vmax.f32 v24, v25;
	v25 =	vmul.f32 v26, v1  }
0x152: {  	v31 =	vld [tilespmem:s29+$0x2800];
	v17 =	vmax.f32 v17, v18;
	v24 =	vmax.f32 v24, v26;
	v18 =	vadd.f32 v33, v27  }
0x153: {  	v30 =	vld [tilespmem:s29+$0x2850];
	v27 =	vmul.f32 v23, v2;
	v52 =	vmul.f32 v22, v3;
	v17 =	vmax.f32 v17, v19  }
0x154: {  	v26 =	vld [tilespmem:s29+$0x2820];
	v25 =	vadd.f32 v25, v29;
	v24 =	vmul.f32 v24, v0;
	v34 =	vmul.f32 v21, v1  }
0x155: {  	v28 =	vld [tilespmem:s29+$0x2870];
	v17 =	vmax.f32 v17, v20;
	v19 =	vmul.f32 v16, v15;
	v18 =	vadd.f32 v27, v18  }
0x156: {  	v29 =	vld [tilespmem:s29+$0x2840];
	v17 =	vmax.f32 v17, v23;
	v24 =	vadd.f32 v24, v25;
	v35 =	vmul.f32 v32, v14  }
0x157: {  	v25 =	vld [tilespmem:s29+$0x2C10];
	v20 =	vmul.f32 v31, v15;
	v17 =	vmax.f32 v17, v22;
	v16 =	vmax.f32 v16, v32  }
0x158: {  	v36 =	vld [tilespmem:s29+$0x2860];
	v18 =	vadd.f32 v52, v18;
	[tilespmem:s28+$0x5010] =	vst v24;
	v19 =	vadd.f32 v35, v19;
	v24 =	vmul.f32 v30, v13  }
0x159: {  	v17 =	vmax.f32 v17, v21;
	v16 =	vmax.f32 v16, v30;
	v27 =	vmul.f32 v26, v14;
	v23 =	vld [tilespmem:s29+$0x2C30]  }
0x15a: {  	v26 =	vmax.f32 v31, v26;
	v31 =	vld [tilespmem:s29+$0x2C00];
	v19 =	vadd.f32 v24, v19;
	v24 =	vmul.f32 v28, v12  }
0x15b: {  	v17 =	vmul.f32 v17, v0;
	v22 =	vld [tilespmem:s29+$0x2C50];
	v20 =	vadd.f32 v27, v20;
	v27 =	vmul.f32 v29, v13  }
0x15c: {  	v26 =	vmax.f32 v26, v29;
	v29 =	vld [tilespmem:s29+$0x2C20];
	v19 =	vadd.f32 v24, v19;
	v24 =	vmul.f32 v25, v11  }
0x15d: {  	v16 =	vmax.f32 v16, v28;
	v21 =	vld [tilespmem:s29+$0x2C70];
	v20 =	vadd.f32 v27, v20;
	v27 =	vmul.f32 v36, v12  }
0x15e: {  	v53 =	vld [tilespmem:s29+$0x2C40];
	v18 =	vadd.f32 v34, v18;
	v19 =	vadd.f32 v24, v19;
	v24 =	vmul.f32 v23, v10  }
0x15f: {  	v54 =	vld [tilespmem:s29+$0x3010];
	v26 =	vmax.f32 v26, v36;
	v20 =	vadd.f32 v27, v20;
	v27 =	vmul.f32 v31, v11  }
0x160: {  	v26 =	vmax.f32 v26, v31;
	v31 =	vld [tilespmem:s29+$0x2C60];
	v19 =	vadd.f32 v24, v19;
	v24 =	vmul.f32 v22, v9  }
0x161: {  	v55 =	vld [tilespmem:s29+$0x3030];
	v17 =	vadd.f32 v17, v18;
	v20 =	vadd.f32 v27, v20;
	v27 =	vmul.f32 v29, v10  }
0x162: {  	v26 =	vmax.f32 v26, v29;
	v29 =	vld [tilespmem:s29+$0x3000];
	v19 =	vadd.f32 v24, v19;
	v24 =	vmul.f32 v21, v8  }
0x163: {  	v18 =	vld [tilespmem:s29+$0x3050];
	v16 =	vmax.f32 v16, v25;
	v20 =	vadd.f32 v27, v20;
	v27 =	vmul.f32 v53, v9  }
0x164: {  	v56 =	vld [tilespmem:s29+$0x3020];
	v16 =	vmax.f32 v16, v23;
	[tilespmem:s28+$0x5000] =	vst v17;
	v19 =	vadd.f32 v24, v19;
	v24 =	vmul.f32 v54, v7  }
0x165: {  	v16 =	vmax.f32 v16, v22;
	v17 =	vadd.f32 v27, v20;
	v20 =	vmul.f32 v31, v8;
	v27 =	vld [tilespmem:s29+$0x3070]  }
0x166: {  	v26 =	vmax.f32 v26, v53;
	v30 =	vld [tilespmem:s29+$0x3040];
	v19 =	vadd.f32 v24, v19;
	v24 =	vmul.f32 v55, v6  }
0x167: {  	v16 =	vmax.f32 v16, v21;
	v25 =	vld [tilespmem:s29+$0x3410];
	v17 =	vadd.f32 v20, v17;
	v20 =	vmul.f32 v29, v7  }
0x168: {  	v23 =	vmul.f32 v18, v5;
	v16 =	vmax.f32 v16, v54;
	v19 =	vadd.f32 v24, v19;
	v24 =	vld [tilespmem:s29+$0x3060]  }
0x169: {  	v22 =	vld [tilespmem:s29+$0x3430];
	v16 =	vmax.f32 v16, v55;
	v17 =	vadd.f32 v20, v17;
	v20 =	vmul.f32 v56, v6  }
0x16a: {  	v26 =	vmax.f32 v26, v31;
	v21 =	vmul.f32 v27, v4;
	v19 =	vadd.f32 v23, v19;
	v23 =	vld [tilespmem:s29+$0x3400]  }
0x16b: {  	v16 =	vmax.f32 v16, v18;
	v18 =	vld [tilespmem:s29+$0x3450];
	v17 =	vadd.f32 v20, v17;
	v20 =	vmul.f32 v30, v5  }
0x16c: {  	v28 =	vld [tilespmem:s29+$0x3420];
	v16 =	vmax.f32 v16, v27;
	v19 =	vadd.f32 v21, v19;
	v21 =	vmul.f32 v25, v2  }
0x16d: {  	v16 =	vmax.f32 v16, v25;
	v17 =	vadd.f32 v20, v17;
	v20 =	vmul.f32 v24, v4  }
0x16e: {  	v26 =	vmax.f32 v26, v29;
	v16 =	vmax.f32 v16, v22;
	v19 =	vadd.f32 v21, v19;
	v21 =	vld [tilespmem:s29+$0x3440]  }
0x16f: {  	v25 =	vmax.f32 v26, v56;
	v17 =	vadd.f32 v20, v17;
	v20 =	vmul.f32 v23, v2  }
0x170: {  	v27 =	vmul.f32 v22, v3;
	v16 =	vmax.f32 v16, v18;
	v22 =	vmax.f32 v25, v30  }
0x171: {  	v25 =	vmul.f32 v28, v3;
	v22 =	vmax.f32 v22, v24;
	v17 =	vadd.f32 v20, v17  }
0x172: {  	v19 =	vadd.f32 v27, v19;
	v20 =	vmul.f32 v18, v1;
	v18 =	vmax.f32 v22, v23  }
0x173: {  	v18 =	vmax.f32 v18, v28;
	v22 =	vmul.f32 v21, v1;
	v17 =	vadd.f32 v25, v17  }
0x174: {  	v16 =	vmul.f32 v16, v0;
	v19 =	vadd.f32 v20, v19;
	v18 =	vmax.f32 v18, v21  }
0x175: {  	v18 =	vmul.f32 v18, v0;
	v17 =	vadd.f32 v22, v17  }
0x176: {  	v16 =	vadd.f32 v16, v19  }
0x177: {  	v17 =	vadd.f32 v18, v17  }
0x178: {  	[tilespmem:s29+$0x5010] =	vst v16  }
0x179: {  	s28 =	simm.s32 $0x0;
	[tilespmem:s29+$0x5000] =	vst v17  }
0x17a: {  	[hbm4b:s10+s28] =	stream.linear.scatter [tilespmem:s23], [sflag:$0x1], $0x400, $0x38;
	[tilespmem:$0x5800] =	vst v63  }
0x17b: {  	_ =	swait.ge [sflag:s24], $0x1000  }
0x17c: {  	[sflag:s24] =	ssyncset.done $0x0  }
0x17d: {  	s28 =	simm.s32 $0x0;
	[sflag:s24] =	ssyncadd.s32 $0xFFFFF000  }
0x17e: {  	v16 =	vld [tilespmem:s28+$0x3810]  }
0x17f: {  	v19 =	vld [tilespmem:s28+$0x3830]  }
0x180: {  	v17 =	vld [tilespmem:s28+$0x3800]  }
0x181: {  	v20 =	vld [tilespmem:s28+$0x3850]  }
0x182: {  	v18 =	vld [tilespmem:s28+$0x3820]  }
0x183: {  	v21 =	vld [tilespmem:s28+$0x3870]  }
0x184: {  	v22 =	vld [tilespmem:s28+$0x3840];
	v23 =	vmul.f32 v16, v15;
	v24 =	vmul.f32 v19, v14  }
0x185: {  	v25 =	vld [tilespmem:s28+$0x3C10]  }
0x186: {  	v26 =	vld [tilespmem:s28+$0x3860];
	v23 =	vadd.f32 v24, v23;
	v24 =	vmul.f32 v20, v13  }
0x187: {  	v29 =	vld [tilespmem:s28+$0x3C30];
	v27 =	vmul.f32 v17, v15;
	v28 =	vmul.f32 v18, v14  }
0x188: {  	v30 =	vld [tilespmem:s28+$0x3C00];
	v17 =	vmax.f32 v17, v18;
	v23 =	vadd.f32 v24, v23;
	v24 =	vmul.f32 v21, v12  }
0x189: {  	v31 =	vld [tilespmem:s28+$0x3C50];
	v16 =	vmax.f32 v16, v19;
	v27 =	vadd.f32 v28, v27;
	v28 =	vmul.f32 v22, v13  }
0x18a: {  	v57 =	vld [tilespmem:s28+$0x3C20];
	v17 =	vmax.f32 v17, v22;
	v23 =	vadd.f32 v24, v23;
	v24 =	vmul.f32 v25, v11  }
0x18b: {  	v58 =	vld [tilespmem:s28+$0x3C70];
	v16 =	vmax.f32 v16, v20;
	v27 =	vadd.f32 v28, v27;
	v28 =	vmul.f32 v26, v12  }
0x18c: {  	v18 =	vld [tilespmem:s28+$0x3C40];
	v17 =	vmax.f32 v17, v26;
	v23 =	vadd.f32 v24, v23;
	v24 =	vmul.f32 v29, v10  }
0x18d: {  	v16 =	vmax.f32 v16, v21;
	v22 =	vadd.f32 v28, v27;
	v27 =	vmul.f32 v30, v11;
	v28 =	vld [tilespmem:s28+$0x4010]  }
0x18e: {  	v59 =	vld [tilespmem:s28+$0x3C60];
	v17 =	vmax.f32 v17, v30;
	v23 =	vadd.f32 v24, v23;
	v24 =	vmul.f32 v31, v9  }
0x18f: {  	v16 =	vmax.f32 v16, v25;
	v26 =	vmul.f32 v57, v10;
	v22 =	vadd.f32 v27, v22;
	v27 =	vld [tilespmem:s28+$0x4030]  }
0x190: {  	v30 =	vmax.f32 v17, v57;
	v17 =	vld [tilespmem:s28+$0x4000];
	v23 =	vadd.f32 v24, v23;
	v24 =	vmul.f32 v58, v8  }
0x191: {  	v60 =	vld [tilespmem:s28+$0x4050];
	v16 =	vmax.f32 v16, v29;
	v22 =	vadd.f32 v26, v22;
	v26 =	vmul.f32 v18, v9  }
0x192: {  	v30 =	vmax.f32 v30, v18;
	v18 =	vld [tilespmem:s28+$0x4020];
	v23 =	vadd.f32 v24, v23;
	v24 =	vmul.f32 v28, v7  }
0x193: {  	v61 =	vld [tilespmem:s28+$0x4070];
	v16 =	vmax.f32 v16, v31;
	v22 =	vadd.f32 v26, v22;
	v26 =	vmul.f32 v59, v8  }
0x194: {  	v19 =	vld [tilespmem:s28+$0x4040];
	v16 =	vmax.f32 v16, v58;
	v21 =	vadd.f32 v24, v23;
	v23 =	vmul.f32 v27, v6  }
0x195: {  	v16 =	vmax.f32 v16, v28;
	v22 =	vadd.f32 v26, v22;
	v26 =	vmul.f32 v17, v7;
	v24 =	vld [tilespmem:s28+$0x4410]  }
0x196: {  	v20 =	vld [tilespmem:s28+$0x4060];
	v29 =	vmul.f32 v60, v5;
	v16 =	vmax.f32 v16, v27;
	v21 =	vadd.f32 v23, v21  }
0x197: {  	s29 =	simm.s32 $0x80;
	v25 =	vld [tilespmem:s28+$0x4430];
	v28 =	vmax.f32 v30, v59;
	v22 =	vadd.f32 v26, v22;
	v26 =	vmul.f32 v18, v6  }
0x198: {  	v30 =	vmax.f32 v16, v60;
	v16 =	vld [tilespmem:s29+$0x3810];
	v21 =	vadd.f32 v29, v21;
	v29 =	vmul.f32 v61, v4  }
0x199: {  	v62 =	vmul.f32 v19, v5;
	v31 =	vadd.f32 v26, v22;
	v26 =	vld [tilespmem:s28+$0x4450]  }
0x19a: {  	v23 =	vld [tilespmem:s28+$0x4400];
	v63 =	vmul.f32 v24, v2;
	v29 =	vadd.f32 v29, v21  }
0x19b: {  	v22 =	vld [tilespmem:s28+$0x4420];
	v27 =	vadd.f32 v62, v31  }
0x19c: {  	s30 =	simm.s32 $0x400;
	v31 =	vmax.f32 v30, v61;
	v30 =	vmul.f32 v25, v3;
	v21 =	vld [tilespmem:s28+$0x4440];
	v29 =	vadd.f32 v63, v29  }
.LBB2_8:
0x19d: {  	p0 =	sne.s32 s30, $0xE00;
	v32 =	vld [tilespmem:s29+$0x3830];
	v17 =	vmax.f32 v28, v17;
	v28 =	vmul.f32 v20, v4;
	v24 =	vmax.f32 v31, v24  }
0x19e: {  	v31 =	vld [tilespmem:s29+$0x3800];
	v29 =	vadd.f32 v30, v29;
	v24 =	vmax.f32 v24, v25;
	v25 =	vmul.f32 v26, v1  }
0x19f: {  	v17 =	vmax.f32 v17, v18;
	v30 =	vld [tilespmem:s29+$0x3850];
	v18 =	vadd.f32 v28, v27;
	v24 =	vmax.f32 v24, v26  }
0x1a0: {  	v27 =	vmul.f32 v23, v2;
	v26 =	vld [tilespmem:s29+$0x3820];
	v25 =	vadd.f32 v25, v29;
	v24 =	vmul.f32 v24, v0  }
0x1a1: {  	v17 =	vmax.f32 v17, v19;
	v19 =	vmul.f32 v22, v3;
	v29 =	vmul.f32 v21, v1;
	v28 =	vld [tilespmem:s29+$0x3870]  }
0x1a2: {  	v34 =	vmul.f32 v16, v15;
	v33 =	vld [tilespmem:s29+$0x3840];
	v35 =	vmul.f32 v32, v14;
	v24 =	vadd.f32 v24, v25  }
0x1a3: {  	v17 =	vmax.f32 v17, v20;
	v18 =	vadd.f32 v27, v18;
	v25 =	vmul.f32 v31, v15;
	v36 =	vld [tilespmem:s29+$0x3C10]  }
0x1a4: {  	v17 =	vmax.f32 v17, v23;
	v20 =	vld [tilespmem:s29+$0x3860];
	v27 =	vadd.f32 v35, v34;
	v34 =	vmul.f32 v30, v13;
	[tilespmem:s28+$0x5410] =	vst v24  }
0x1a5: {  	v18 =	vadd.f32 v19, v18;
	v23 =	vmul.f32 v26, v14;
	v24 =	vmax.f32 v31, v26;
	v26 =	vld [tilespmem:s29+$0x3C30]  }
0x1a6: {  	v17 =	vmax.f32 v17, v22;
	v19 =	vld [tilespmem:s29+$0x3C00];
	v27 =	vadd.f32 v34, v27;
	v31 =	vmul.f32 v28, v12  }
0x1a7: {  	v22 =	vadd.f32 v23, v25;
	v23 =	vmul.f32 v33, v13;
	v24 =	vmax.f32 v24, v33;
	v25 =	vld [tilespmem:s29+$0x3C50]  }
0x1a8: {  	v17 =	vmax.f32 v17, v21;
	v33 =	vld [tilespmem:s29+$0x3C20];
	v27 =	vadd.f32 v31, v27;
	v31 =	vmul.f32 v36, v11  }
0x1a9: {  	v21 =	vadd.f32 v23, v22;
	v22 =	vmul.f32 v20, v12;
	v20 =	vmax.f32 v24, v20;
	v34 =	vld [tilespmem:s29+$0x3C70]  }
0x1aa: {  	v18 =	vadd.f32 v29, v18;
	v23 =	vld [tilespmem:s29+$0x3C40];
	v24 =	vadd.f32 v31, v27;
	v27 =	vmul.f32 v26, v10  }
0x1ab: {  	v21 =	vadd.f32 v22, v21;
	v22 =	vmul.f32 v19, v11;
	v19 =	vmax.f32 v20, v19;
	v29 =	vld [tilespmem:s29+$0x4010]  }
0x1ac: {  	v31 =	vld [tilespmem:s29+$0x3C60];
	v20 =	vadd.f32 v27, v24;
	v24 =	vmul.f32 v25, v9;
	v27 =	vmul.f32 v17, v0  }
0x1ad: {  	v21 =	vadd.f32 v22, v21;
	v22 =	vmul.f32 v33, v10;
	v19 =	vmax.f32 v19, v33;
	v33 =	vld [tilespmem:s29+$0x4030]  }
0x1ae: {  	v17 =	vld [tilespmem:s29+$0x4000];
	v20 =	vadd.f32 v24, v20;
	v24 =	vmul.f32 v34, v8;
	v27 =	vadd.f32 v27, v18  }
0x1af: {  	v21 =	vadd.f32 v22, v21;
	v22 =	vmul.f32 v23, v9;
	v35 =	vmax.f32 v19, v23;
	v37 =	vld [tilespmem:s29+$0x4050]  }
0x1b0: {  	v16 =	vmax.f32 v16, v32;
	v18 =	vld [tilespmem:s29+$0x4020];
	v20 =	vadd.f32 v24, v20;
	v23 =	vmul.f32 v29, v7;
	[tilespmem:s28+$0x5400] =	vst v27;
	s28 =	smov.u32 s29  }
0x1b1: {  	v16 =	vmax.f32 v16, v30;
	v21 =	vadd.f32 v22, v21;
	v22 =	vmul.f32 v31, v8;
	v30 =	vld [tilespmem:s28+$0x4070]  }
0x1b2: {  	v16 =	vmax.f32 v16, v28;
	v19 =	vld [tilespmem:s28+$0x4040];
	v23 =	vadd.f32 v23, v20;
	v27 =	vmul.f32 v33, v6  }
0x1b3: {  	v16 =	vmax.f32 v16, v36;
	v21 =	vadd.f32 v22, v21;
	v22 =	vmul.f32 v17, v7;
	v24 =	vld [tilespmem:s28+$0x4410]  }
0x1b4: {  	v16 =	vmax.f32 v16, v26;
	v20 =	vld [tilespmem:s28+$0x4060];
	v26 =	vadd.f32 v27, v23;
	v27 =	vmul.f32 v37, v5  }
0x1b5: {  	v16 =	vmax.f32 v16, v25;
	v21 =	vadd.f32 v22, v21;
	v22 =	vmul.f32 v18, v6;
	v25 =	vld [tilespmem:s28+$0x4430]  }
.Ltmp3:
0x1b6: {  	v16 =	vmax.f32 v16, v34;
	v23 =	vld [tilespmem:s28+$0x4400];
	v27 =	vadd.f32 v27, v26;
	v28 =	vmul.f32 v30, v4;
	(pc) =	sbr.rel @p0 .LBB2_8-.Ltmp3, $4  }
0x1b7: {  	v16 =	vmax.f32 v16, v29;
	v21 =	vadd.f32 v22, v21;
	v32 =	vmul.f32 v19, v5;
	v26 =	vld [tilespmem:s28+$0x4450]  }
0x1b8: {  	v16 =	vmax.f32 v16, v33;
	v22 =	vld [tilespmem:s28+$0x4420];
	v29 =	vadd.f32 v28, v27;
	v33 =	vmul.f32 v24, v2  }
0x1b9: {  	s29 =	sshra.s32 s30, $0x2;
	v28 =	vmax.f32 v35, v31;
	v31 =	vmax.f32 v16, v37;
	v27 =	vadd.f32 v32, v21;
	v21 =	vld [tilespmem:s28+$0x4440]  }
0x1ba: {  	s30 =	sadd.s32 $0x200, s30;
	v31 =	vmax.f32 v31, v30;
	v16 =	vld [tilespmem:s29+$0x3810];
	v29 =	vadd.f32 v33, v29;
	v30 =	vmul.f32 v25, v3  }
0x1bb: {  	v32 =	vld [tilespmem:s29+$0x3830];
	v24 =	vmax.f32 v31, v24  }
0x1bc: {  	v51 =	vld [tilespmem:s29+$0x3800];
	v29 =	vadd.f32 v30, v29;
	v24 =	vmax.f32 v24, v25;
	v52 =	vmul.f32 v26, v1  }
0x1bd: {  	v53 =	vld [tilespmem:s29+$0x3820];
	v24 =	vmax.f32 v24, v26  }
0x1be: {  	v17 =	vmax.f32 v28, v17;
	v28 =	vld [tilespmem:s29+$0x3870];
	v25 =	vadd.f32 v52, v29;
	v24 =	vmul.f32 v24, v0  }
0x1bf: {  	v56 =	vld [tilespmem:s29+$0x3840]  }
0x1c0: {  	v33 =	vmul.f32 v20, v4;
	v59 =	vld [tilespmem:s29+$0x3860];
	v17 =	vmax.f32 v17, v18;
	v24 =	vadd.f32 v24, v25  }
0x1c1: {  	v30 =	vld [tilespmem:s29+$0x3850];
	v17 =	vmax.f32 v17, v19  }
0x1c2: {  	v55 =	vmul.f32 v23, v2;
	v54 =	vadd.f32 v33, v27;
	v17 =	vmax.f32 v17, v20;
	v25 =	vld [tilespmem:s29+$0x3C10];
	[tilespmem:s28+$0x5410] =	vst v24  }
0x1c3: {  	v57 =	vmul.f32 v22, v3;
	v35 =	vmul.f32 v21, v1;
	v17 =	vmax.f32 v17, v23;
	v23 =	vld [tilespmem:s29+$0x3C30]  }
0x1c4: {  	v58 =	vmul.f32 v16, v15;
	v18 =	vadd.f32 v55, v54;
	v34 =	vmul.f32 v32, v14;
	v33 =	vld [tilespmem:s29+$0x3C00]  }
0x1c5: {  	v60 =	vmul.f32 v51, v15;
	v63 =	vmul.f32 v53, v14;
	v17 =	vmax.f32 v17, v22;
	v22 =	vld [tilespmem:s29+$0x3C50]  }
0x1c6: {  	v26 =	vmax.f32 v51, v53;
	v36 =	vmul.f32 v56, v13;
	v41 =	vmul.f32 v59, v12;
	v38 =	vld [tilespmem:s29+$0x3C20]  }
0x1c7: {  	v62 =	vmul.f32 v30, v13;
	v18 =	vadd.f32 v57, v18;
	v61 =	vadd.f32 v34, v58;
	v40 =	vld [tilespmem:s29+$0x3C70]  }
0x1c8: {  	v37 =	vmax.f32 v26, v56;
	v17 =	vmax.f32 v17, v21;
	v14 =	vadd.f32 v63, v60;
	v43 =	vld [tilespmem:s29+$0x3C40]  }
0x1c9: {  	v34 =	vmul.f32 v28, v12;
	v42 =	vmax.f32 v37, v59;
	v46 =	vld [tilespmem:s29+$0x4010];
	v24 =	vadd.f32 v62, v61  }
0x1ca: {  	v17 =	vmul.f32 v17, v0;
	v18 =	vadd.f32 v35, v18;
	v49 =	vld [tilespmem:s29+$0x3C60];
	v13 =	vadd.f32 v36, v14  }
0x1cb: {  	v52 =	vld [tilespmem:s29+$0x4030];
	v61 =	vmax.f32 v16, v32;
	v39 =	vmul.f32 v25, v11;
	v24 =	vadd.f32 v34, v24  }
0x1cc: {  	v55 =	vld [tilespmem:s29+$0x4000];
	v17 =	vadd.f32 v17, v18;
	v12 =	vadd.f32 v41, v13;
	v45 =	vmul.f32 v23, v10  }
0x1cd: {  	v57 =	vld [tilespmem:s29+$0x4050];
	v44 =	vadd.f32 v39, v24;
	v47 =	vmul.f32 v33, v11;
	v51 =	vmul.f32 v22, v9  }
0x1ce: {  	v29 =	vmax.f32 v61, v30;
	v53 =	vmul.f32 v38, v10;
	v56 =	vmul.f32 v40, v8  }
0x1cf: {  	v60 =	vld [tilespmem:s29+$0x4020];
	[tilespmem:s28+$0x5400] =	vst v17;
	v58 =	vmul.f32 v43, v9;
	v50 =	vadd.f32 v45, v44;
	v11 =	vadd.f32 v47, v12  }
0x1d0: {  	v48 =	vmax.f32 v42, v33;
	v63 =	vmul.f32 v46, v7;
	v26 =	vmul.f32 v49, v8;
	v17 =	vld [tilespmem:s29+$0x4040]  }
0x1d1: {  	v31 =	vmul.f32 v52, v6;
	v34 =	vld [tilespmem:s29+$0x4410];
	v19 =	vadd.f32 v51, v50;
	v10 =	vadd.f32 v53, v11  }
0x1d2: {  	v30 =	vld [tilespmem:s29+$0x4070];
	v32 =	vmul.f32 v55, v7;
	v35 =	vmul.f32 v57, v5;
	v54 =	vmax.f32 v48, v38  }
0x1d3: {  	v36 =	vld [tilespmem:s29+$0x4060];
	v59 =	vmax.f32 v54, v43;
	v62 =	vadd.f32 v56, v19;
	v9 =	vadd.f32 v58, v10  }
0x1d4: {  	v37 =	vmul.f32 v60, v6;
	v39 =	vld [tilespmem:s29+$0x4430];
	v11 =	vmax.f32 v59, v49;
	v10 =	vmax.f32 v29, v28  }
0x1d5: {  	v41 =	vld [tilespmem:s29+$0x4400];
	v33 =	vmax.f32 v10, v25;
	v16 =	vadd.f32 v63, v62;
	v8 =	vadd.f32 v26, v9  }
0x1d6: {  	v42 =	vmul.f32 v17, v5;
	v45 =	vmul.f32 v34, v2;
	v9 =	vmax.f32 v33, v23  }
0x1d7: {  	v50 =	vld [tilespmem:s29+$0x4440];
	v38 =	vmax.f32 v9, v22;
	v16 =	vadd.f32 v31, v16;
	v7 =	vadd.f32 v32, v8  }
0x1d8: {  	v49 =	vmul.f32 v36, v4;
	v8 =	vmax.f32 v38, v40;
	v40 =	vmul.f32 v30, v4  }
0x1d9: {  	v43 =	vmax.f32 v8, v46;
	v46 =	vld [tilespmem:s29+$0x4420];
	v16 =	vadd.f32 v35, v16;
	v6 =	vadd.f32 v37, v7  }
0x1da: {  	v51 =	vmul.f32 v39, v3;
	v11 =	vmax.f32 v11, v55;
	v53 =	vmul.f32 v41, v2  }
0x1db: {  	v48 =	vld [tilespmem:s29+$0x4450];
	v7 =	vmax.f32 v43, v52;
	v44 =	vadd.f32 v40, v16;
	v5 =	vadd.f32 v42, v6  }
0x1dc: {  	v59 =	vmul.f32 v50, v1;
	v52 =	vmax.f32 v11, v60;
	v47 =	vmax.f32 v7, v57  }
0x1dd: {  	v6 =	vmax.f32 v47, v30;
	v8 =	vadd.f32 v45, v44;
	v4 =	vadd.f32 v49, v5  }
0x1de: {  	v55 =	vmax.f32 v52, v17;
	v6 =	vmax.f32 v6, v34;
	v56 =	vmul.f32 v46, v3  }
0x1df: {  	v54 =	vadd.f32 v51, v8;
	v8 =	vmax.f32 v55, v36;
	v2 =	vadd.f32 v53, v4  }
0x1e0: {  	v57 =	vmul.f32 v48, v1;
	v6 =	vmax.f32 v6, v39;
	v58 =	vmax.f32 v8, v41  }
0x1e1: {  	v6 =	vmax.f32 v6, v48;
	v2 =	vadd.f32 v56, v2;
	v60 =	vmax.f32 v58, v46  }
0x1e2: {  	v61 =	vmul.f32 v6, v0;
	v4 =	vadd.f32 v57, v54;
	v3 =	vmax.f32 v60, v50  }
0x1e3: {  	v1 =	vadd.f32 v59, v2;
	v62 =	vmul.f32 v3, v0  }
0x1e4: {  	v63 =	vadd.f32 v61, v4  }
0x1e5: {  	v0 =	vadd.f32 v62, v1  }
0x1e6: {  	[tilespmem:s29+$0x5410] =	vst v63  }
0x1e7: {  	[tilespmem:s29+$0x5400] =	vst v0  }
0x1e8: {  	[hbm4b:s11+s3] =	stream.linear.scatter [tilespmem:s25], [sflag:$0x1], $0x400, $0x38;
	[tilespmem:$0x5800] =	vst v63  }
0x1e9: {  	_ =	swait.ge [sflag:s17], $0x400  }
0x1ea: {  	[sflag:s17] =	ssyncset.done $0x0  }
0x1eb: {  	[sflag:s17] =	ssyncadd.s32 $0xFFFFFC00  }
0x1ec: {  	_ =	swait.ge [sflag:s17], $0x400  }
0x1ed: {  	[sflag:s17] =	ssyncset.done $0x0  }
0x1ee: {  	s26 =	sadd.s32 $0x1, s26;
	[sflag:s17] =	ssyncadd.s32 $0xFFFFFC00  }
0x1ef: {  	p0 =	sne.s32 s26, s12;
	_ =	swait.ge [sflag:s17], $0x400  }
.Ltmp4:
0x1f0: {  	[sflag:s17] =	ssyncset.done $0x0;
	(pc) =	sbr.rel @p0 .LBB2_1-.Ltmp4, $4  }
0x1f1: {  	[sflag:s17] =	ssyncadd.s32 $0xFFFFFC00  }
0x1f2: {  	_ =	swait.ge [sflag:s17], $0x400  }
0x1f3: {  	[sflag:s17] =	ssyncset.done $0x0  }
0x1f4: {  	[sflag:s17] =	ssyncadd.s32 $0xFFFFFC00  }
0x1f5: {  	_ =	sfence.sel $0x180000  }
0x1f6: {  	[bflag:$0x0] =	sbarrier.arrive $0xFFFF  }
0x1f7: {  	p0 =	sne.s32 s1, $0x0;
	_ =	strace $0x90000047  }
0x1f8: {  	s0 =	sadd.s32 @!p0 $0x100000, s0;
	[bflag:$0x2] =	sbarrier.arrive $0xFFFF  }
0x1f9: {  	[sflag:s0] =	ssyncadd.tile.s32 @!p0 $0x1;
	_ =	shalt  }
.Lfunc_end2:
_tile_overlayer_lowered:
.L_overlay_start_2:
0x1fa: {  	(tag) =	ssettag $0x2  }
0x1fb: {  	s0 =	rddreg [dreg:$0x0];
	s2 =	stileid.u32  }
0x1fc: {  	s1 =	rddreg [dreg:$0x1];
	p0 =	sne.s32 s2, $0x0  }
0x1fd: {  	s3 =	rddreg [dreg:$0x2];
	[bflag:$0x3] =	sbarrier.arrive $0xFFFF;
	s2 =	simm.s32 @!p0 $0x1C06  }
0x1fe: {  	[timem:s3], [sflag:s2] =	dma.local @!p0 [hbm:s0], s1  }
0x1ff: {  	s0 =	simm.s32 @!p0 $0x6  }
0x200: {  	_ =	swait.ge @!p0 [sflag:s0], s1  }
0x201: {  	s1 =	ssub.s32 @!p0 $0x0, s1;
	[sflag:s0] =	ssyncset.done @!p0 $0x0  }
0x202: {  	[sflag:s0] =	ssyncadd.s32 @!p0 s1  }
0x203: {  	[bflag:$0x3] =	sbarrier.arrive $0xFFFF  }
0x204: {  	_ =	shalt  }

</sc_bundles>
